<compile_context>
chip_gen: v7x
topology: tpu7x:2x2x1
jax: 0.10.2.dev20260603
libtpu: 0.0.44.dev20260713+nightly
codegen_flags: <defaults>
</compile_context>

<pallas_src>
import functools

import jax
import jax.numpy as jnp
import numpy as np
from jax import lax
from jax.experimental import pallas as pl
from jax.experimental.pallas import tpu as pltpu
from jax.experimental.pallas import tpu_sc as plsc

NUM_SPHERICAL = 3
NUM_RADIAL = 6
CUTOFF = 5.0
E_EDGES = 320000
T_TRIPLETS = 960000

C_Y0 = 0.28209479177387814
C_Y1 = 0.4886025119029199
C_Y2 = 0.31539156525252005

W_TAB = 32


def _jn_np(r, n):
    if n == 0:
        return np.sin(r) / r
    if n == 1:
        return np.sin(r) / r ** 2 - np.cos(r) / r
    if n == 2:
        return (3.0 / r ** 3 - 1.0 / r) * np.sin(r) - 3.0 / r ** 2 * np.cos(r)
    if n == 3:
        return (15.0 / r ** 4 - 6.0 / r ** 2) * np.sin(r) - (15.0 / r ** 3 - 1.0 / r) * np.cos(r)
    raise NotImplementedError


def _bisect(f, a, b, iters=200):
    fa = f(a)
    for _ in range(iters):
        m = 0.5 * (a + b)
        fm = f(m)
        if fa * fm <= 0.0:
            b = m
        else:
            a = m
            fa = fm
    return 0.5 * (a + b)


def _jn_zeros(n, k):
    zerosj = np.zeros((n, k), dtype=np.float64)
    zerosj[0] = np.arange(1, k + 1) * np.pi
    points = np.arange(1, k + n) * np.pi
    racines = np.zeros(k + n - 1, dtype=np.float64)
    for i in range(1, n):
        for j in range(k + n - 1 - i):
            racines[j] = _bisect(lambda r: _jn_np(r, i), points[j], points[j + 1])
        points = racines.copy()
        zerosj[i][:k] = racines[:k]
    return zerosj


_ZEROS64 = _jn_zeros(NUM_SPHERICAL, NUM_RADIAL)
_NORM64 = np.zeros((NUM_SPHERICAL, NUM_RADIAL), dtype=np.float64)
for _o in range(NUM_SPHERICAL):
    for _i in range(NUM_RADIAL):
        _NORM64[_o, _i] = 1.0 / np.sqrt(0.5 * _jn_np(_ZEROS64[_o, _i], _o + 1) ** 2)

_zflat = _ZEROS64.reshape(-1).astype(np.float32).astype(np.float64)
_nflat = _NORM64.reshape(-1).astype(np.float32).astype(np.float64)
_nflat[:6] *= C_Y0
_zlo = np.full(16, 1.0)
_zhi = np.full(16, 1.0)
_nlo = np.zeros(16)
_nhi = np.zeros(16)
_zlo[:9], _nlo[:9] = _zflat[:9], _nflat[:9]
_zhi[:9], _nhi[:9] = _zflat[9:18], _nflat[9:18]

W_PK = 16

_TAB_ROWS = E_EDGES // 8
_TAB_BLOCK = 1600

ZLO_TILE = np.tile((_zlo / CUTOFF).astype(np.float32)[None, :], (1, 8))
ZHI_TILE = np.tile((_zhi / CUTOFF).astype(np.float32)[None, :], (1, 8))
NLO_TILE = np.tile(_nlo.astype(np.float32)[None, :], (1, 8))
NHI_TILE = np.tile(_nhi.astype(np.float32)[None, :], (1, 8))


_INV_PI = float(1.0 / np.pi)
_PI_HI = 3.140625
_PI_LO = float(np.pi - 3.140625)


def _sincos(x):
    ki = (x * _INV_PI + 0.5).astype(jnp.int32)
    kf = ki.astype(jnp.float32)
    r = (x - kf * _PI_HI) - kf * _PI_LO
    r2 = r * r
    sp = r * (1.0 + r2 * (-1.6666667e-1 + r2 * (8.3333310e-3
         + r2 * (-1.9840874e-4 + r2 * 2.7525562e-6))))
    cp = 1.0 + r2 * (-0.5 + r2 * (4.1666645e-2
         + r2 * (-1.3887316e-3 + r2 * 2.4760495e-5)))
    sign = 1.0 - 2.0 * (ki & 1).astype(jnp.float32)
    return sp * sign, cp * sign


def _rtne_bf16_bits(v):
    u = lax.bitcast_convert_type(v, jnp.int32)
    return u + np.int32(0x7FFF) + ((u >> 16) & 1)


def _table_body(d_ref, zlo_ref, zhi_ref, nlo_ref, nhi_ref, o_ref):
    d8 = d_ref[...]
    parts = [
        jnp.broadcast_to(d8[:, q : q + 1], (_TAB_BLOCK, W_PK)) for q in range(8)
    ]
    d = jnp.concatenate(parts, axis=1)
    col = lax.broadcasted_iota(jnp.int32, d.shape, 1) % W_PK

    x = d * zlo_ref[...]
    s, c = _sincos(x)
    inv = 1.0 / x
    j0 = s * inv
    j1 = (s * inv - c) * inv
    lo = jnp.where(col < 6, j0, j1) * nlo_ref[...]

    x = d * zhi_ref[...]
    s, c = _sincos(x)
    inv = 1.0 / x
    j1 = (s * inv - c) * inv
    j2 = (s * (3.0 * inv * inv - 1.0) - 3.0 * c * inv) * inv
    hi = jnp.where(col < 3, j1, j2) * nhi_ref[...]

    word = ((_rtne_bf16_bits(lo) >> 16) & np.int32(0xFFFF)) | (
        _rtne_bf16_bits(hi) & np.int32(-65536)
    )
    o_ref[...] = word


def _build_table(d8):
    grid = (_TAB_ROWS // _TAB_BLOCK,)
    cspec = pl.BlockSpec((1, 128), lambda i: (0, 0))
    return pl.pallas_call(
        _table_body,
        grid=grid,
        in_specs=[pl.BlockSpec((_TAB_BLOCK, 8), lambda i: (i, 0))] + [cspec] * 4,
        out_specs=pl.BlockSpec((_TAB_BLOCK, 128), lambda i: (i, 0)),
        out_shape=jax.ShapeDtypeStruct((_TAB_ROWS, 128), jnp.int32),
    )(d8, ZLO_TILE, ZHI_TILE, NLO_TILE, NHI_TILE)


def _cos_body(a_ref, o_ref):
    o_ref[...] = _sincos(a_ref[...])[1]


def _build_cos(angle):
    return pl.pallas_call(
        _cos_body,
        out_shape=jax.ShapeDtypeStruct((T_TRIPLETS,), jnp.float32),
    )(angle)


_MUL_BLOCK = 48000


def _mul_body(*refs):
    g_refs = refs[:9]
    cos_ref = refs[9]
    o_ref = refs[10]
    co = cos_ref[...]
    c1 = co * C_Y1
    c2 = co * co * (3.0 * C_Y2) - C_Y2
    for w in range(9):
        g = g_refs[w][...]
        lo = lax.bitcast_convert_type(g << 16, jnp.float32)
        hi = lax.bitcast_convert_type(g & np.int32(-65536), jnp.float32)
        if w >= 6:
            lo = lo * c1
        if w < 3:
            hi = hi * c1
        else:
            hi = hi * c2
        o_ref[w : w + 1, :] = lo
        o_ref[w + 9 : w + 10, :] = hi


def _apply_cbf(g_rows, cosv2):
    grid = (T_TRIPLETS // _MUL_BLOCK,)
    ispec = pl.BlockSpec((1, _MUL_BLOCK), lambda i: (0, i))
    return pl.pallas_call(
        _mul_body,
        grid=grid,
        in_specs=[ispec] * 10,
        out_specs=pl.BlockSpec((18, _MUL_BLOCK), lambda i: (0, i)),
        out_shape=jax.ShapeDtypeStruct((18, T_TRIPLETS), jnp.float32),
    )(*g_rows, cosv2)


NW = 32
CB = 1920
NCHUNK_TOTAL = T_TRIPLETS // CB
NCHUNK_MAX = -(-NCHUNK_TOTAL // NW)
GW = 128
NWIN = CB // GW
GRP = CB // 16


def _sc_body(*refs):
    tab_hbm, idx_hbm = refs[0], refs[1]
    outs = refs[2:11]
    idx_v, buf, obuf, sem, osem = refs[11:16]
    wid = lax.axis_index("s") * 2 + lax.axis_index("c")

    @pl.loop(0, NCHUNK_MAX)
    def _chunk(k):
        cix = wid + k * NW

        @pl.when(cix < NCHUNK_TOTAL)
        def _():
            base = cix * CB
            pltpu.sync_copy(idx_hbm.at[pl.ds(base, CB)], idx_v)
            copies = [
                pltpu.async_copy(
                    tab_hbm.at[idx_v.at[pl.ds(w * GW, GW)]],
                    buf.at[pl.ds(w * GW, GW), :],
                    sem,
                )
                for w in range(NWIN)
            ]
            for cp in copies:
                cp.wait()

            @pl.loop(0, GRP)
            def _grp(g):
                lane = lax.broadcasted_iota(jnp.int32, (16,), 0)
                rows = lane + g * 16
                for c in range(9):
                    t = lane + c
                    t = jnp.where(t >= 18, t - 18, t)
                    colv = jnp.where(t >= 9, t - 9, t)
                    v = plsc.load_gather(buf, [rows, colv])
                    plsc.store_scatter(obuf, [colv, rows], v)

            ocopies = [
                pltpu.async_copy(obuf.at[c], outs[c].at[pl.ds(base, CB)], osem)
                for c in range(9)
            ]
            for cp in ocopies:
                cp.wait()


@functools.lru_cache(maxsize=1)
def _get_sc_call():
    mesh = plsc.VectorSubcoreMesh(core_axis_name="c", subcore_axis_name="s")
    return pl.kernel(
        _sc_body,
        compiler_params=pltpu.CompilerParams(
            needs_layout_passes=False, use_tc_tiling_on_sc=False
        ),
        out_type=[jax.ShapeDtypeStruct((T_TRIPLETS,), jnp.int32)] * 9,
        mesh=mesh,
        scratch_types=[
            pltpu.VMEM((CB,), jnp.int32),
            pltpu.VMEM((CB, W_PK), jnp.int32),
            pltpu.VMEM((9, CB), jnp.int32),
            pltpu.SemaphoreType.DMA,
            pltpu.SemaphoreType.DMA,
        ],
    )


def kernel(dist, angle, idx_kj):
    table = _build_table(dist.reshape(_TAB_ROWS, 8)).reshape(E_EDGES, W_PK)
    g_rows = _get_sc_call()(table, idx_kj)
    cosv = _build_cos(angle)
    out_t = _apply_cbf(
        [g.reshape(1, T_TRIPLETS) for g in g_rows],
        cosv.reshape(1, T_TRIPLETS),
    )
    return out_t.T

# --- scband reference (transcript-rebuilt; emitter-appended) ---
"""Pipeline reference for scband-emb-spherenet-48034914238943 (READ-ONLY COPY).

The authoritative reference and input builder live on the scoring server;
editing this copy changes nothing except your own understanding.
"""

import jax, jax.numpy as jnp
import numpy as np

NUM_SPHERICAL = 3
NUM_RADIAL = 6
CUTOFF = 5.0
E_EDGES = 320000
T_TRIPLETS = 960000


def _jn_np(r, n):
    # spherical Bessel function j_n(r), numpy scalar/array version
    if n == 0:
        return np.sin(r) / r
    if n == 1:
        return np.sin(r) / r ** 2 - np.cos(r) / r
    if n == 2:
        return (3.0 / r ** 3 - 1.0 / r) * np.sin(r) - 3.0 / r ** 2 * np.cos(r)
    if n == 3:
        return (15.0 / r ** 4 - 6.0 / r ** 2) * np.sin(r) - (15.0 / r ** 3 - 1.0 / r) * np.cos(r)
    raise NotImplementedError


def _bisect(f, a, b, iters=200):
    fa = f(a)
    for _ in range(iters):
        m = 0.5 * (a + b)
        fm = f(m)
        if fa * fm <= 0.0:
            b = m
        else:
            a = m
            fa = fm
    return 0.5 * (a + b)


def _jn_zeros(n, k):
    zerosj = np.zeros((n, k), dtype=np.float64)
    zerosj[0] = np.arange(1, k + 1) * np.pi
    points = np.arange(1, k + n) * np.pi
    racines = np.zeros(k + n - 1, dtype=np.float64)
    for i in range(1, n):
        for j in range(k + n - 1 - i):
            racines[j] = _bisect(lambda r: _jn_np(r, i), points[j], points[j + 1])
        points = racines.copy()
        zerosj[i][:k] = racines[:k]
    return zerosj


ZEROS = _jn_zeros(NUM_SPHERICAL, NUM_RADIAL)
NORM = np.zeros((NUM_SPHERICAL, NUM_RADIAL), dtype=np.float64)
for _order in range(NUM_SPHERICAL):
    for _i in range(NUM_RADIAL):
        NORM[_order, _i] = 1.0 / np.sqrt(0.5 * _jn_np(ZEROS[_order, _i], _order + 1) ** 2)

# real spherical harmonics Y_l^0(theta) prefactors
C_Y0 = 0.28209479177387814  # 1/(2 sqrt(pi))
C_Y1 = 0.4886025119029199   # sqrt(3/(4 pi))
C_Y2 = 0.31539156525252005  # sqrt(5/(16 pi))


def _sph_jn(n, x):
    if n == 0:
        return jnp.sin(x) / x
    if n == 1:
        return jnp.sin(x) / x ** 2 - jnp.cos(x) / x
    if n == 2:
        return (3.0 / x ** 3 - 1.0 / x) * jnp.sin(x) - 3.0 / x ** 2 * jnp.cos(x)
    raise NotImplementedError


def setup_inputs(seed: int = 0) -> dict:
    key = jax.random.key(seed)
    k1, k2, k3 = jax.random.split(key, 3)
    dist = jax.random.uniform(k1, (E_EDGES,), dtype=jnp.float32, minval=0.1, maxval=5.0)
    angle = jax.random.uniform(k2, (T_TRIPLETS,), dtype=jnp.float32, minval=0.0, maxval=float(np.pi))
    idx_kj = jax.random.randint(k3, (T_TRIPLETS,), 0, E_EDGES, dtype=jnp.int32)
    return {"dist": dist, "angle": angle, "idx_kj": idx_kj}


def reference(dist, angle, idx_kj):
    d = dist / CUTOFF
    rbf_cols = []
    for i in range(NUM_SPHERICAL):
        for j in range(NUM_RADIAL):
            rbf_cols.append(jnp.float32(NORM[i, j]) * _sph_jn(i, jnp.float32(ZEROS[i, j]) * d))
    rbf = jnp.stack(rbf_cols, axis=1)  # [E, n*k]
    c0 = jnp.zeros_like(angle) + C_Y0
    c1 = C_Y1 * jnp.cos(angle)
    c2 = C_Y2 * (3.0 * jnp.cos(angle) ** 2 - 1.0)
    cbf = jnp.stack([c0, c1, c2], axis=1)  # [T, n]
    n, k = NUM_SPHERICAL, NUM_RADIAL
    out = (rbf[idx_kj].reshape(-1, n, k) * cbf.reshape(-1, n, 1)).reshape(-1, n * k)
    return out

if __name__ == "__main__":
    import jax
    _d = setup_inputs()
    print(jax.jit(kernel)(*tuple(_d.values())))

</pallas_src>

<mosaic_0001>
#map = affine_map<(d0, d1) -> (0, 0)>
#map1 = affine_map<(d0, d1) -> (0)>
module attributes {stable_mosaic.version = 14 : i64} {
  func.func @_sc_body(%arg0: i32, %arg1: i32, %arg2: memref<320000x16xi32, #tpu.memory_space<hbm>>, %arg3: memref<960000xi32, #tpu.memory_space<hbm>>, %arg4: memref<960000xi32, #tpu.memory_space<hbm>>, %arg5: memref<960000xi32, #tpu.memory_space<hbm>>, %arg6: memref<960000xi32, #tpu.memory_space<hbm>>, %arg7: memref<960000xi32, #tpu.memory_space<hbm>>, %arg8: memref<960000xi32, #tpu.memory_space<hbm>>, %arg9: memref<960000xi32, #tpu.memory_space<hbm>>, %arg10: memref<960000xi32, #tpu.memory_space<hbm>>, %arg11: memref<960000xi32, #tpu.memory_space<hbm>>, %arg12: memref<960000xi32, #tpu.memory_space<hbm>>, %arg13: memref<1920xi32, #tpu.memory_space<vmem>>, %arg14: memref<1920x16xi32, #tpu.memory_space<vmem>>, %arg15: memref<9x1920xi32, #tpu.memory_space<vmem>>, %arg16: memref<!tpu.dma_semaphore, #tpu.memory_space<semaphore_mem>>, %arg17: memref<!tpu.dma_semaphore, #tpu.memory_space<semaphore_mem>>) attributes {dimension_semantics = [#tpu.dimension_semantics<core_parallel>, #tpu.dimension_semantics<subcore_parallel>], iteration_bounds = array<i64: 2, 16>, scalar_prefetch = 0 : i64, scratch_operands = 5 : i64, tpu.core_type = #tpu.core_type<sc_vector_subcore>, window_params = [{transform_indices = #map}, {transform_indices = #map1}, {transform_indices = #map1}, {transform_indices = #map1}, {transform_indices = #map1}, {transform_indices = #map1}, {transform_indices = #map1}, {transform_indices = #map1}, {transform_indices = #map1}, {transform_indices = #map1}, {transform_indices = #map1}]} {
    %mul3A = arith.constant 2 : i32
    %mul3A_0 = arith.muli %arg1, %mul3A : i32
    %add3A = arith.addi %mul3A_0, %arg0 : i32
    %scan3A = arith.constant 0 : i32
    %scan3A_1 = arith.constant 16 : i32
    %scan3A_2 = arith.addi %scan3A, %scan3A_1 : i32
    %scan3A_3 = arith.constant 1 : i32
    scf.for %scan3A_5 = %scan3A to %scan3A_2 step %scan3A_3  : i32 {
      %mul3A_6 = arith.constant 1 : i32
      %mul3A_7 = arith.muli %scan3A_5, %mul3A_6 : i32
      %add3A_8 = arith.constant 0 : i32
      %add3A_9 = arith.addi %add3A_8, %mul3A_7 : i32
      %mul3A_10 = arith.constant 32 : i32
      %mul3A_11 = arith.muli %add3A_9, %mul3A_10 : i32
      %add3A_12 = arith.addi %add3A, %mul3A_11 : i32
      %lt3A = arith.constant 500 : i32
      %lt3A_13 = arith.cmpi slt, %add3A_12, %lt3A : i32
      %convert_element_type3A = arith.extui %lt3A_13 : i1 to i32
      %cond3A = arith.constant 0 : i32
      %cond3A_14 = arith.cmpi ne, %convert_element_type3A, %cond3A : i32
      scf.if %cond3A_14 {
        %mul3A_15 = arith.constant 1920 : i32
        %mul3A_16 = arith.muli %add3A_12, %mul3A_15 : i32
        "tpu.region"() ({
          %run_scoped3A = tpu.sem_alloc : memref<!tpu.dma_semaphore, #tpu.memory_space<semaphore_mem>>
          %dma_start3A_422 = tpu.memref_slice %arg3[%mul3A_16] : memref<960000xi32, #tpu.memory_space<hbm>> -> memref<1920xi32, #tpu.memory_space<hbm>>
          %dma_start3A_423 = tpu.memref_slice %arg3[%mul3A_16] : memref<960000xi32, #tpu.memory_space<hbm>> -> memref<1920xi32, #tpu.memory_space<hbm>>
          tpu.enqueue_dma source(%dma_start3A_423 : memref<1920xi32, #tpu.memory_space<hbm>>) target(%arg13 : memref<1920xi32, #tpu.memory_space<vmem>>) target_semaphore(%run_scoped3A : memref<!tpu.dma_semaphore, #tpu.memory_space<semaphore_mem>>)
          %dma_wait3A_424 = tpu.memref_slice %arg3[%mul3A_16] : memref<960000xi32, #tpu.memory_space<hbm>> -> memref<1920xi32, #tpu.memory_space<hbm>>
          %dma_wait3A_425 = tpu.memref_slice %arg3[%mul3A_16] : memref<960000xi32, #tpu.memory_space<hbm>> -> memref<1920xi32, #tpu.memory_space<hbm>>
          tpu.wait_dma2 semaphore(%run_scoped3A : memref<!tpu.dma_semaphore, #tpu.memory_space<semaphore_mem>>) src(%dma_wait3A_425 : memref<1920xi32, #tpu.memory_space<hbm>>) dst(%arg13 : memref<1920xi32, #tpu.memory_space<vmem>>)
          tpu.yield
        }) : () -> ()
        %dma_start3A = arith.constant 0 : i32
        %dma_start3A_17 = arith.constant 0 : i32
        %dma_start3A_18 = tpu.memref_slice %arg14[%dma_start3A, %dma_start3A_17] : memref<1920x16xi32, #tpu.memory_space<vmem>> -> memref<128x16xi32, #tpu.memory_space<vmem>>
        %dma_start3A_19 = arith.constant 0 : i32
        %dma_start3A_20 = tpu.memref_slice %arg13[%dma_start3A_19] : memref<1920xi32, #tpu.memory_space<vmem>> -> memref<128xi32, #tpu.memory_space<vmem>>
        %dma_start3A_21 = arith.constant 0 : i32
        %dma_start3A_22 = arith.constant 0 : i32
        %dma_start3A_23 = tpu.memref_slice %arg2[%dma_start3A_21, %dma_start3A_22] : memref<320000x16xi32, #tpu.memory_space<hbm>> -> memref<320000x16xi32, #tpu.memory_space<hbm>>
        tpu.enqueue_indirect_dma source(%dma_start3A_23 : memref<320000x16xi32, #tpu.memory_space<hbm>>) target(%dma_start3A_18 : memref<128x16xi32, #tpu.memory_space<vmem>>) offsets(%dma_start3A_20 : memref<128xi32, #tpu.memory_space<vmem>>) semaphore(%arg16 : memref<!tpu.dma_semaphore, #tpu.memory_space<semaphore_mem>>)
        %dma_start3A_24 = arith.constant 128 : i32
        %dma_start3A_25 = arith.constant 0 : i32
        %dma_start3A_26 = tpu.memref_slice %arg14[%dma_start3A_24, %dma_start3A_25] : memref<1920x16xi32, #tpu.memory_space<vmem>> -> memref<128x16xi32, #tpu.memory_space<vmem>>
        %dma_start3A_27 = arith.constant 128 : i32
        %dma_start3A_28 = tpu.memref_slice %arg13[%dma_start3A_27] : memref<1920xi32, #tpu.memory_space<vmem>> -> memref<128xi32, #tpu.memory_space<vmem>>
        %dma_start3A_29 = arith.constant 0 : i32
        %dma_start3A_30 = arith.constant 0 : i32
        %dma_start3A_31 = tpu.memref_slice %arg2[%dma_start3A_29, %dma_start3A_30] : memref<320000x16xi32, #tpu.memory_space<hbm>> -> memref<320000x16xi32, #tpu.memory_space<hbm>>
        tpu.enqueue_indirect_dma source(%dma_start3A_31 : memref<320000x16xi32, #tpu.memory_space<hbm>>) target(%dma_start3A_26 : memref<128x16xi32, #tpu.memory_space<vmem>>) offsets(%dma_start3A_28 : memref<128xi32, #tpu.memory_space<vmem>>) semaphore(%arg16 : memref<!tpu.dma_semaphore, #tpu.memory_space<semaphore_mem>>)
        %dma_start3A_32 = arith.constant 256 : i32
        %dma_start3A_33 = arith.constant 0 : i32
        %dma_start3A_34 = tpu.memref_slice %arg14[%dma_start3A_32, %dma_start3A_33] : memref<1920x16xi32, #tpu.memory_space<vmem>> -> memref<128x16xi32, #tpu.memory_space<vmem>>
        %dma_start3A_35 = arith.constant 256 : i32
        %dma_start3A_36 = tpu.memref_slice %arg13[%dma_start3A_35] : memref<1920xi32, #tpu.memory_space<vmem>> -> memref<128xi32, #tpu.memory_space<vmem>>
        %dma_start3A_37 = arith.constant 0 : i32
        %dma_start3A_38 = arith.constant 0 : i32
        %dma_start3A_39 = tpu.memref_slice %arg2[%dma_start3A_37, %dma_start3A_38] : memref<320000x16xi32, #tpu.memory_space<hbm>> -> memref<320000x16xi32, #tpu.memory_space<hbm>>
        tpu.enqueue_indirect_dma source(%dma_start3A_39 : memref<320000x16xi32, #tpu.memory_space<hbm>>) target(%dma_start3A_34 : memref<128x16xi32, #tpu.memory_space<vmem>>) offsets(%dma_start3A_36 : memref<128xi32, #tpu.memory_space<vmem>>) semaphore(%arg16 : memref<!tpu.dma_semaphore, #tpu.memory_space<semaphore_mem>>)
        %dma_start3A_40 = arith.constant 384 : i32
        %dma_start3A_41 = arith.constant 0 : i32
        %dma_start3A_42 = tpu.memref_slice %arg14[%dma_start3A_40, %dma_start3A_41] : memref<1920x16xi32, #tpu.memory_space<vmem>> -> memref<128x16xi32, #tpu.memory_space<vmem>>
        %dma_start3A_43 = arith.constant 384 : i32
        %dma_start3A_44 = tpu.memref_slice %arg13[%dma_start3A_43] : memref<1920xi32, #tpu.memory_space<vmem>> -> memref<128xi32, #tpu.memory_space<vmem>>
        %dma_start3A_45 = arith.constant 0 : i32
        %dma_start3A_46 = arith.constant 0 : i32
        %dma_start3A_47 = tpu.memref_slice %arg2[%dma_start3A_45, %dma_start3A_46] : memref<320000x16xi32, #tpu.memory_space<hbm>> -> memref<320000x16xi32, #tpu.memory_space<hbm>>
        tpu.enqueue_indirect_dma source(%dma_start3A_47 : memref<320000x16xi32, #tpu.memory_space<hbm>>) target(%dma_start3A_42 : memref<128x16xi32, #tpu.memory_space<vmem>>) offsets(%dma_start3A_44 : memref<128xi32, #tpu.memory_space<vmem>>) semaphore(%arg16 : memref<!tpu.dma_semaphore, #tpu.memory_space<semaphore_mem>>)
        %dma_start3A_48 = arith.constant 512 : i32
        %dma_start3A_49 = arith.constant 0 : i32
        %dma_start3A_50 = tpu.memref_slice %arg14[%dma_start3A_48, %dma_start3A_49] : memref<1920x16xi32, #tpu.memory_space<vmem>> -> memref<128x16xi32, #tpu.memory_space<vmem>>
        %dma_start3A_51 = arith.constant 512 : i32
        %dma_start3A_52 = tpu.memref_slice %arg13[%dma_start3A_51] : memref<1920xi32, #tpu.memory_space<vmem>> -> memref<128xi32, #tpu.memory_space<vmem>>
        %dma_start3A_53 = arith.constant 0 : i32
        %dma_start3A_54 = arith.constant 0 : i32
        %dma_start3A_55 = tpu.memref_slice %arg2[%dma_start3A_53, %dma_start3A_54] : memref<320000x16xi32, #tpu.memory_space<hbm>> -> memref<320000x16xi32, #tpu.memory_space<hbm>>
        tpu.enqueue_indirect_dma source(%dma_start3A_55 : memref<320000x16xi32, #tpu.memory_space<hbm>>) target(%dma_start3A_50 : memref<128x16xi32, #tpu.memory_space<vmem>>) offsets(%dma_start3A_52 : memref<128xi32, #tpu.memory_space<vmem>>) semaphore(%arg16 : memref<!tpu.dma_semaphore, #tpu.memory_space<semaphore_mem>>)
        %dma_start3A_56 = arith.constant 640 : i32
        %dma_start3A_57 = arith.constant 0 : i32
        %dma_start3A_58 = tpu.memref_slice %arg14[%dma_start3A_56, %dma_start3A_57] : memref<1920x16xi32, #tpu.memory_space<vmem>> -> memref<128x16xi32, #tpu.memory_space<vmem>>
        %dma_start3A_59 = arith.constant 640 : i32
        %dma_start3A_60 = tpu.memref_slice %arg13[%dma_start3A_59] : memref<1920xi32, #tpu.memory_space<vmem>> -> memref<128xi32, #tpu.memory_space<vmem>>
        %dma_start3A_61 = arith.constant 0 : i32
        %dma_start3A_62 = arith.constant 0 : i32
        %dma_start3A_63 = tpu.memref_slice %arg2[%dma_start3A_61, %dma_start3A_62] : memref<320000x16xi32, #tpu.memory_space<hbm>> -> memref<320000x16xi32, #tpu.memory_space<hbm>>
        tpu.enqueue_indirect_dma source(%dma_start3A_63 : memref<320000x16xi32, #tpu.memory_space<hbm>>) target(%dma_start3A_58 : memref<128x16xi32, #tpu.memory_space<vmem>>) offsets(%dma_start3A_60 : memref<128xi32, #tpu.memory_space<vmem>>) semaphore(%arg16 : memref<!tpu.dma_semaphore, #tpu.memory_space<semaphore_mem>>)
        %dma_start3A_64 = arith.constant 768 : i32
        %dma_start3A_65 = arith.constant 0 : i32
        %dma_start3A_66 = tpu.memref_slice %arg14[%dma_start3A_64, %dma_start3A_65] : memref<1920x16xi32, #tpu.memory_space<vmem>> -> memref<128x16xi32, #tpu.memory_space<vmem>>
        %dma_start3A_67 = arith.constant 768 : i32
        %dma_start3A_68 = tpu.memref_slice %arg13[%dma_start3A_67] : memref<1920xi32, #tpu.memory_space<vmem>> -> memref<128xi32, #tpu.memory_space<vmem>>
        %dma_start3A_69 = arith.constant 0 : i32
        %dma_start3A_70 = arith.constant 0 : i32
        %dma_start3A_71 = tpu.memref_slice %arg2[%dma_start3A_69, %dma_start3A_70] : memref<320000x16xi32, #tpu.memory_space<hbm>> -> memref<320000x16xi32, #tpu.memory_space<hbm>>
        tpu.enqueue_indirect_dma source(%dma_start3A_71 : memref<320000x16xi32, #tpu.memory_space<hbm>>) target(%dma_start3A_66 : memref<128x16xi32, #tpu.memory_space<vmem>>) offsets(%dma_start3A_68 : memref<128xi32, #tpu.memory_space<vmem>>) semaphore(%arg16 : memref<!tpu.dma_semaphore, #tpu.memory_space<semaphore_mem>>)
        %dma_start3A_72 = arith.constant 896 : i32
        %dma_start3A_73 = arith.constant 0 : i32
        %dma_start3A_74 = tpu.memref_slice %arg14[%dma_start3A_72, %dma_start3A_73] : memref<1920x16xi32, #tpu.memory_space<vmem>> -> memref<128x16xi32, #tpu.memory_space<vmem>>
        %dma_start3A_75 = arith.constant 896 : i32
        %dma_start3A_76 = tpu.memref_slice %arg13[%dma_start3A_75] : memref<1920xi32, #tpu.memory_space<vmem>> -> memref<128xi32, #tpu.memory_space<vmem>>
        %dma_start3A_77 = arith.constant 0 : i32
        %dma_start3A_78 = arith.constant 0 : i32
        %dma_start3A_79 = tpu.memref_slice %arg2[%dma_start3A_77, %dma_start3A_78] : memref<320000x16xi32, #tpu.memory_space<hbm>> -> memref<320000x16xi32, #tpu.memory_space<hbm>>
        tpu.enqueue_indirect_dma source(%dma_start3A_79 : memref<320000x16xi32, #tpu.memory_space<hbm>>) target(%dma_start3A_74 : memref<128x16xi32, #tpu.memory_space<vmem>>) offsets(%dma_start3A_76 : memref<128xi32, #tpu.memory_space<vmem>>) semaphore(%arg16 : memref<!tpu.dma_semaphore, #tpu.memory_space<semaphore_mem>>)
        %dma_start3A_80 = arith.constant 1024 : i32
        %dma_start3A_81 = arith.constant 0 : i32
        %dma_start3A_82 = tpu.memref_slice %arg14[%dma_start3A_80, %dma_start3A_81] : memref<1920x16xi32, #tpu.memory_space<vmem>> -> memref<128x16xi32, #tpu.memory_space<vmem>>
        %dma_start3A_83 = arith.constant 1024 : i32
        %dma_start3A_84 = tpu.memref_slice %arg13[%dma_start3A_83] : memref<1920xi32, #tpu.memory_space<vmem>> -> memref<128xi32, #tpu.memory_space<vmem>>
        %dma_start3A_85 = arith.constant 0 : i32
        %dma_start3A_86 = arith.constant 0 : i32
        %dma_start3A_87 = tpu.memref_slice %arg2[%dma_start3A_85, %dma_start3A_86] : memref<320000x16xi32, #tpu.memory_space<hbm>> -> memref<320000x16xi32, #tpu.memory_space<hbm>>
        tpu.enqueue_indirect_dma source(%dma_start3A_87 : memref<320000x16xi32, #tpu.memory_space<hbm>>) target(%dma_start3A_82 : memref<128x16xi32, #tpu.memory_space<vmem>>) offsets(%dma_start3A_84 : memref<128xi32, #tpu.memory_space<vmem>>) semaphore(%arg16 : memref<!tpu.dma_semaphore, #tpu.memory_space<semaphore_mem>>)
        %dma_start3A_88 = arith.constant 1152 : i32
        %dma_start3A_89 = arith.constant 0 : i32
        %dma_start3A_90 = tpu.memref_slice %arg14[%dma_start3A_88, %dma_start3A_89] : memref<1920x16xi32, #tpu.memory_space<vmem>> -> memref<128x16xi32, #tpu.memory_space<vmem>>
        %dma_start3A_91 = arith.constant 1152 : i32
        %dma_start3A_92 = tpu.memref_slice %arg13[%dma_start3A_91] : memref<1920xi32, #tpu.memory_space<vmem>> -> memref<128xi32, #tpu.memory_space<vmem>>
        %dma_start3A_93 = arith.constant 0 : i32
        %dma_start3A_94 = arith.constant 0 : i32
        %dma_start3A_95 = tpu.memref_slice %arg2[%dma_start3A_93, %dma_start3A_94] : memref<320000x16xi32, #tpu.memory_space<hbm>> -> memref<320000x16xi32, #tpu.memory_space<hbm>>
        tpu.enqueue_indirect_dma source(%dma_start3A_95 : memref<320000x16xi32, #tpu.memory_space<hbm>>) target(%dma_start3A_90 : memref<128x16xi32, #tpu.memory_space<vmem>>) offsets(%dma_start3A_92 : memref<128xi32, #tpu.memory_space<vmem>>) semaphore(%arg16 : memref<!tpu.dma_semaphore, #tpu.memory_space<semaphore_mem>>)
        %dma_start3A_96 = arith.constant 1280 : i32
        %dma_start3A_97 = arith.constant 0 : i32
        %dma_start3A_98 = tpu.memref_slice %arg14[%dma_start3A_96, %dma_start3A_97] : memref<1920x16xi32, #tpu.memory_space<vmem>> -> memref<128x16xi32, #tpu.memory_space<vmem>>
        %dma_start3A_99 = arith.constant 1280 : i32
        %dma_start3A_100 = tpu.memref_slice %arg13[%dma_start3A_99] : memref<1920xi32, #tpu.memory_space<vmem>> -> memref<128xi32, #tpu.memory_space<vmem>>
        %dma_start3A_101 = arith.constant 0 : i32
        %dma_start3A_102 = arith.constant 0 : i32
        %dma_start3A_103 = tpu.memref_slice %arg2[%dma_start3A_101, %dma_start3A_102] : memref<320000x16xi32, #tpu.memory_space<hbm>> -> memref<320000x16xi32, #tpu.memory_space<hbm>>
        tpu.enqueue_indirect_dma source(%dma_start3A_103 : memref<320000x16xi32, #tpu.memory_space<hbm>>) target(%dma_start3A_98 : memref<128x16xi32, #tpu.memory_space<vmem>>) offsets(%dma_start3A_100 : memref<128xi32, #tpu.memory_space<vmem>>) semaphore(%arg16 : memref<!tpu.dma_semaphore, #tpu.memory_space<semaphore_mem>>)
        %dma_start3A_104 = arith.constant 1408 : i32
        %dma_start3A_105 = arith.constant 0 : i32
        %dma_start3A_106 = tpu.memref_slice %arg14[%dma_start3A_104, %dma_start3A_105] : memref<1920x16xi32, #tpu.memory_space<vmem>> -> memref<128x16xi32, #tpu.memory_space<vmem>>
        %dma_start3A_107 = arith.constant 1408 : i32
        %dma_start3A_108 = tpu.memref_slice %arg13[%dma_start3A_107] : memref<1920xi32, #tpu.memory_space<vmem>> -> memref<128xi32, #tpu.memory_space<vmem>>
        %dma_start3A_109 = arith.constant 0 : i32
        %dma_start3A_110 = arith.constant 0 : i32
        %dma_start3A_111 = tpu.memref_slice %arg2[%dma_start3A_109, %dma_start3A_110] : memref<320000x16xi32, #tpu.memory_space<hbm>> -> memref<320000x16xi32, #tpu.memory_space<hbm>>
        tpu.enqueue_indirect_dma source(%dma_start3A_111 : memref<320000x16xi32, #tpu.memory_space<hbm>>) target(%dma_start3A_106 : memref<128x16xi32, #tpu.memory_space<vmem>>) offsets(%dma_start3A_108 : memref<128xi32, #tpu.memory_space<vmem>>) semaphore(%arg16 : memref<!tpu.dma_semaphore, #tpu.memory_space<semaphore_mem>>)
        %dma_start3A_112 = arith.constant 1536 : i32
        %dma_start3A_113 = arith.constant 0 : i32
        %dma_start3A_114 = tpu.memref_slice %arg14[%dma_start3A_112, %dma_start3A_113] : memref<1920x16xi32, #tpu.memory_space<vmem>> -> memref<128x16xi32, #tpu.memory_space<vmem>>
        %dma_start3A_115 = arith.constant 1536 : i32
        %dma_start3A_116 = tpu.memref_slice %arg13[%dma_start3A_115] : memref<1920xi32, #tpu.memory_space<vmem>> -> memref<128xi32, #tpu.memory_space<vmem>>
        %dma_start3A_117 = arith.constant 0 : i32
        %dma_start3A_118 = arith.constant 0 : i32
        %dma_start3A_119 = tpu.memref_slice %arg2[%dma_start3A_117, %dma_start3A_118] : memref<320000x16xi32, #tpu.memory_space<hbm>> -> memref<320000x16xi32, #tpu.memory_space<hbm>>
        tpu.enqueue_indirect_dma source(%dma_start3A_119 : memref<320000x16xi32, #tpu.memory_space<hbm>>) target(%dma_start3A_114 : memref<128x16xi32, #tpu.memory_space<vmem>>) offsets(%dma_start3A_116 : memref<128xi32, #tpu.memory_space<vmem>>) semaphore(%arg16 : memref<!tpu.dma_semaphore, #tpu.memory_space<semaphore_mem>>)
        %dma_start3A_120 = arith.constant 1664 : i32
        %dma_start3A_121 = arith.constant 0 : i32
        %dma_start3A_122 = tpu.memref_slice %arg14[%dma_start3A_120, %dma_start3A_121] : memref<1920x16xi32, #tpu.memory_space<vmem>> -> memref<128x16xi32, #tpu.memory_space<vmem>>
        %dma_start3A_123 = arith.constant 1664 : i32
        %dma_start3A_124 = tpu.memref_slice %arg13[%dma_start3A_123] : memref<1920xi32, #tpu.memory_space<vmem>> -> memref<128xi32, #tpu.memory_space<vmem>>
        %dma_start3A_125 = arith.constant 0 : i32
        %dma_start3A_126 = arith.constant 0 : i32
        %dma_start3A_127 = tpu.memref_slice %arg2[%dma_start3A_125, %dma_start3A_126] : memref<320000x16xi32, #tpu.memory_space<hbm>> -> memref<320000x16xi32, #tpu.memory_space<hbm>>
        tpu.enqueue_indirect_dma source(%dma_start3A_127 : memref<320000x16xi32, #tpu.memory_space<hbm>>) target(%dma_start3A_122 : memref<128x16xi32, #tpu.memory_space<vmem>>) offsets(%dma_start3A_124 : memref<128xi32, #tpu.memory_space<vmem>>) semaphore(%arg16 : memref<!tpu.dma_semaphore, #tpu.memory_space<semaphore_mem>>)
        %dma_start3A_128 = arith.constant 1792 : i32
        %dma_start3A_129 = arith.constant 0 : i32
        %dma_start3A_130 = tpu.memref_slice %arg14[%dma_start3A_128, %dma_start3A_129] : memref<1920x16xi32, #tpu.memory_space<vmem>> -> memref<128x16xi32, #tpu.memory_space<vmem>>
        %dma_start3A_131 = arith.constant 1792 : i32
        %dma_start3A_132 = tpu.memref_slice %arg13[%dma_start3A_131] : memref<1920xi32, #tpu.memory_space<vmem>> -> memref<128xi32, #tpu.memory_space<vmem>>
        %dma_start3A_133 = arith.constant 0 : i32
        %dma_start3A_134 = arith.constant 0 : i32
        %dma_start3A_135 = tpu.memref_slice %arg2[%dma_start3A_133, %dma_start3A_134] : memref<320000x16xi32, #tpu.memory_space<hbm>> -> memref<320000x16xi32, #tpu.memory_space<hbm>>
        tpu.enqueue_indirect_dma source(%dma_start3A_135 : memref<320000x16xi32, #tpu.memory_space<hbm>>) target(%dma_start3A_130 : memref<128x16xi32, #tpu.memory_space<vmem>>) offsets(%dma_start3A_132 : memref<128xi32, #tpu.memory_space<vmem>>) semaphore(%arg16 : memref<!tpu.dma_semaphore, #tpu.memory_space<semaphore_mem>>)
        %dma_wait3A = arith.constant 0 : i32
        %dma_wait3A_136 = arith.constant 0 : i32
        %dma_wait3A_137 = tpu.memref_slice %arg14[%dma_wait3A, %dma_wait3A_136] : memref<1920x16xi32, #tpu.memory_space<vmem>> -> memref<128x16xi32, #tpu.memory_space<vmem>>
        %dma_wait3A_138 = arith.constant 0 : i32
        %dma_wait3A_139 = tpu.memref_slice %arg13[%dma_wait3A_138] : memref<1920xi32, #tpu.memory_space<vmem>> -> memref<128xi32, #tpu.memory_space<vmem>>
        %dma_wait3A_140 = arith.constant 0 : i32
        %dma_wait3A_141 = arith.constant 0 : i32
        %dma_wait3A_142 = tpu.memref_slice %arg2[%dma_wait3A_140, %dma_wait3A_141] : memref<320000x16xi32, #tpu.memory_space<hbm>> -> memref<320000x16xi32, #tpu.memory_space<hbm>>
        tpu.wait_indirect_dma semaphore(%arg16 : memref<!tpu.dma_semaphore, #tpu.memory_space<semaphore_mem>>) src(%dma_wait3A_142 : memref<320000x16xi32, #tpu.memory_space<hbm>>) dst(%dma_wait3A_137 : memref<128x16xi32, #tpu.memory_space<vmem>>)
        %dma_wait3A_143 = arith.constant 128 : i32
        %dma_wait3A_144 = arith.constant 0 : i32
        %dma_wait3A_145 = tpu.memref_slice %arg14[%dma_wait3A_143, %dma_wait3A_144] : memref<1920x16xi32, #tpu.memory_space<vmem>> -> memref<128x16xi32, #tpu.memory_space<vmem>>
        %dma_wait3A_146 = arith.constant 128 : i32
        %dma_wait3A_147 = tpu.memref_slice %arg13[%dma_wait3A_146] : memref<1920xi32, #tpu.memory_space<vmem>> -> memref<128xi32, #tpu.memory_space<vmem>>
        %dma_wait3A_148 = arith.constant 0 : i32
        %dma_wait3A_149 = arith.constant 0 : i32
        %dma_wait3A_150 = tpu.memref_slice %arg2[%dma_wait3A_148, %dma_wait3A_149] : memref<320000x16xi32, #tpu.memory_space<hbm>> -> memref<320000x16xi32, #tpu.memory_space<hbm>>
        tpu.wait_indirect_dma semaphore(%arg16 : memref<!tpu.dma_semaphore, #tpu.memory_space<semaphore_mem>>) src(%dma_wait3A_150 : memref<320000x16xi32, #tpu.memory_space<hbm>>) dst(%dma_wait3A_145 : memref<128x16xi32, #tpu.memory_space<vmem>>)
        %dma_wait3A_151 = arith.constant 256 : i32
        %dma_wait3A_152 = arith.constant 0 : i32
        %dma_wait3A_153 = tpu.memref_slice %arg14[%dma_wait3A_151, %dma_wait3A_152] : memref<1920x16xi32, #tpu.memory_space<vmem>> -> memref<128x16xi32, #tpu.memory_space<vmem>>
        %dma_wait3A_154 = arith.constant 256 : i32
        %dma_wait3A_155 = tpu.memref_slice %arg13[%dma_wait3A_154] : memref<1920xi32, #tpu.memory_space<vmem>> -> memref<128xi32, #tpu.memory_space<vmem>>
        %dma_wait3A_156 = arith.constant 0 : i32
        %dma_wait3A_157 = arith.constant 0 : i32
        %dma_wait3A_158 = tpu.memref_slice %arg2[%dma_wait3A_156, %dma_wait3A_157] : memref<320000x16xi32, #tpu.memory_space<hbm>> -> memref<320000x16xi32, #tpu.memory_space<hbm>>
        tpu.wait_indirect_dma semaphore(%arg16 : memref<!tpu.dma_semaphore, #tpu.memory_space<semaphore_mem>>) src(%dma_wait3A_158 : memref<320000x16xi32, #tpu.memory_space<hbm>>) dst(%dma_wait3A_153 : memref<128x16xi32, #tpu.memory_space<vmem>>)
        %dma_wait3A_159 = arith.constant 384 : i32
        %dma_wait3A_160 = arith.constant 0 : i32
        %dma_wait3A_161 = tpu.memref_slice %arg14[%dma_wait3A_159, %dma_wait3A_160] : memref<1920x16xi32, #tpu.memory_space<vmem>> -> memref<128x16xi32, #tpu.memory_space<vmem>>
        %dma_wait3A_162 = arith.constant 384 : i32
        %dma_wait3A_163 = tpu.memref_slice %arg13[%dma_wait3A_162] : memref<1920xi32, #tpu.memory_space<vmem>> -> memref<128xi32, #tpu.memory_space<vmem>>
        %dma_wait3A_164 = arith.constant 0 : i32
        %dma_wait3A_165 = arith.constant 0 : i32
        %dma_wait3A_166 = tpu.memref_slice %arg2[%dma_wait3A_164, %dma_wait3A_165] : memref<320000x16xi32, #tpu.memory_space<hbm>> -> memref<320000x16xi32, #tpu.memory_space<hbm>>
        tpu.wait_indirect_dma semaphore(%arg16 : memref<!tpu.dma_semaphore, #tpu.memory_space<semaphore_mem>>) src(%dma_wait3A_166 : memref<320000x16xi32, #tpu.memory_space<hbm>>) dst(%dma_wait3A_161 : memref<128x16xi32, #tpu.memory_space<vmem>>)
        %dma_wait3A_167 = arith.constant 512 : i32
        %dma_wait3A_168 = arith.constant 0 : i32
        %dma_wait3A_169 = tpu.memref_slice %arg14[%dma_wait3A_167, %dma_wait3A_168] : memref<1920x16xi32, #tpu.memory_space<vmem>> -> memref<128x16xi32, #tpu.memory_space<vmem>>
        %dma_wait3A_170 = arith.constant 512 : i32
        %dma_wait3A_171 = tpu.memref_slice %arg13[%dma_wait3A_170] : memref<1920xi32, #tpu.memory_space<vmem>> -> memref<128xi32, #tpu.memory_space<vmem>>
        %dma_wait3A_172 = arith.constant 0 : i32
        %dma_wait3A_173 = arith.constant 0 : i32
        %dma_wait3A_174 = tpu.memref_slice %arg2[%dma_wait3A_172, %dma_wait3A_173] : memref<320000x16xi32, #tpu.memory_space<hbm>> -> memref<320000x16xi32, #tpu.memory_space<hbm>>
        tpu.wait_indirect_dma semaphore(%arg16 : memref<!tpu.dma_semaphore, #tpu.memory_space<semaphore_mem>>) src(%dma_wait3A_174 : memref<320000x16xi32, #tpu.memory_space<hbm>>) dst(%dma_wait3A_169 : memref<128x16xi32, #tpu.memory_space<vmem>>)
        %dma_wait3A_175 = arith.constant 640 : i32
        %dma_wait3A_176 = arith.constant 0 : i32
        %dma_wait3A_177 = tpu.memref_slice %arg14[%dma_wait3A_175, %dma_wait3A_176] : memref<1920x16xi32, #tpu.memory_space<vmem>> -> memref<128x16xi32, #tpu.memory_space<vmem>>
        %dma_wait3A_178 = arith.constant 640 : i32
        %dma_wait3A_179 = tpu.memref_slice %arg13[%dma_wait3A_178] : memref<1920xi32, #tpu.memory_space<vmem>> -> memref<128xi32, #tpu.memory_space<vmem>>
        %dma_wait3A_180 = arith.constant 0 : i32
        %dma_wait3A_181 = arith.constant 0 : i32
        %dma_wait3A_182 = tpu.memref_slice %arg2[%dma_wait3A_180, %dma_wait3A_181] : memref<320000x16xi32, #tpu.memory_space<hbm>> -> memref<320000x16xi32, #tpu.memory_space<hbm>>
        tpu.wait_indirect_dma semaphore(%arg16 : memref<!tpu.dma_semaphore, #tpu.memory_space<semaphore_mem>>) src(%dma_wait3A_182 : memref<320000x16xi32, #tpu.memory_space<hbm>>) dst(%dma_wait3A_177 : memref<128x16xi32, #tpu.memory_space<vmem>>)
        %dma_wait3A_183 = arith.constant 768 : i32
        %dma_wait3A_184 = arith.constant 0 : i32
        %dma_wait3A_185 = tpu.memref_slice %arg14[%dma_wait3A_183, %dma_wait3A_184] : memref<1920x16xi32, #tpu.memory_space<vmem>> -> memref<128x16xi32, #tpu.memory_space<vmem>>
        %dma_wait3A_186 = arith.constant 768 : i32
        %dma_wait3A_187 = tpu.memref_slice %arg13[%dma_wait3A_186] : memref<1920xi32, #tpu.memory_space<vmem>> -> memref<128xi32, #tpu.memory_space<vmem>>
        %dma_wait3A_188 = arith.constant 0 : i32
        %dma_wait3A_189 = arith.constant 0 : i32
        %dma_wait3A_190 = tpu.memref_slice %arg2[%dma_wait3A_188, %dma_wait3A_189] : memref<320000x16xi32, #tpu.memory_space<hbm>> -> memref<320000x16xi32, #tpu.memory_space<hbm>>
        tpu.wait_indirect_dma semaphore(%arg16 : memref<!tpu.dma_semaphore, #tpu.memory_space<semaphore_mem>>) src(%dma_wait3A_190 : memref<320000x16xi32, #tpu.memory_space<hbm>>) dst(%dma_wait3A_185 : memref<128x16xi32, #tpu.memory_space<vmem>>)
        %dma_wait3A_191 = arith.constant 896 : i32
        %dma_wait3A_192 = arith.constant 0 : i32
        %dma_wait3A_193 = tpu.memref_slice %arg14[%dma_wait3A_191, %dma_wait3A_192] : memref<1920x16xi32, #tpu.memory_space<vmem>> -> memref<128x16xi32, #tpu.memory_space<vmem>>
        %dma_wait3A_194 = arith.constant 896 : i32
        %dma_wait3A_195 = tpu.memref_slice %arg13[%dma_wait3A_194] : memref<1920xi32, #tpu.memory_space<vmem>> -> memref<128xi32, #tpu.memory_space<vmem>>
        %dma_wait3A_196 = arith.constant 0 : i32
        %dma_wait3A_197 = arith.constant 0 : i32
        %dma_wait3A_198 = tpu.memref_slice %arg2[%dma_wait3A_196, %dma_wait3A_197] : memref<320000x16xi32, #tpu.memory_space<hbm>> -> memref<320000x16xi32, #tpu.memory_space<hbm>>
        tpu.wait_indirect_dma semaphore(%arg16 : memref<!tpu.dma_semaphore, #tpu.memory_space<semaphore_mem>>) src(%dma_wait3A_198 : memref<320000x16xi32, #tpu.memory_space<hbm>>) dst(%dma_wait3A_193 : memref<128x16xi32, #tpu.memory_space<vmem>>)
        %dma_wait3A_199 = arith.constant 1024 : i32
        %dma_wait3A_200 = arith.constant 0 : i32
        %dma_wait3A_201 = tpu.memref_slice %arg14[%dma_wait3A_199, %dma_wait3A_200] : memref<1920x16xi32, #tpu.memory_space<vmem>> -> memref<128x16xi32, #tpu.memory_space<vmem>>
        %dma_wait3A_202 = arith.constant 1024 : i32
        %dma_wait3A_203 = tpu.memref_slice %arg13[%dma_wait3A_202] : memref<1920xi32, #tpu.memory_space<vmem>> -> memref<128xi32, #tpu.memory_space<vmem>>
        %dma_wait3A_204 = arith.constant 0 : i32
        %dma_wait3A_205 = arith.constant 0 : i32
        %dma_wait3A_206 = tpu.memref_slice %arg2[%dma_wait3A_204, %dma_wait3A_205] : memref<320000x16xi32, #tpu.memory_space<hbm>> -> memref<320000x16xi32, #tpu.memory_space<hbm>>
        tpu.wait_indirect_dma semaphore(%arg16 : memref<!tpu.dma_semaphore, #tpu.memory_space<semaphore_mem>>) src(%dma_wait3A_206 : memref<320000x16xi32, #tpu.memory_space<hbm>>) dst(%dma_wait3A_201 : memref<128x16xi32, #tpu.memory_space<vmem>>)
        %dma_wait3A_207 = arith.constant 1152 : i32
        %dma_wait3A_208 = arith.constant 0 : i32
        %dma_wait3A_209 = tpu.memref_slice %arg14[%dma_wait3A_207, %dma_wait3A_208] : memref<1920x16xi32, #tpu.memory_space<vmem>> -> memref<128x16xi32, #tpu.memory_space<vmem>>
        %dma_wait3A_210 = arith.constant 1152 : i32
        %dma_wait3A_211 = tpu.memref_slice %arg13[%dma_wait3A_210] : memref<1920xi32, #tpu.memory_space<vmem>> -> memref<128xi32, #tpu.memory_space<vmem>>
        %dma_wait3A_212 = arith.constant 0 : i32
        %dma_wait3A_213 = arith.constant 0 : i32
        %dma_wait3A_214 = tpu.memref_slice %arg2[%dma_wait3A_212, %dma_wait3A_213] : memref<320000x16xi32, #tpu.memory_space<hbm>> -> memref<320000x16xi32, #tpu.memory_space<hbm>>
        tpu.wait_indirect_dma semaphore(%arg16 : memref<!tpu.dma_semaphore, #tpu.memory_space<semaphore_mem>>) src(%dma_wait3A_214 : memref<320000x16xi32, #tpu.memory_space<hbm>>) dst(%dma_wait3A_209 : memref<128x16xi32, #tpu.memory_space<vmem>>)
        %dma_wait3A_215 = arith.constant 1280 : i32
        %dma_wait3A_216 = arith.constant 0 : i32
        %dma_wait3A_217 = tpu.memref_slice %arg14[%dma_wait3A_215, %dma_wait3A_216] : memref<1920x16xi32, #tpu.memory_space<vmem>> -> memref<128x16xi32, #tpu.memory_space<vmem>>
        %dma_wait3A_218 = arith.constant 1280 : i32
        %dma_wait3A_219 = tpu.memref_slice %arg13[%dma_wait3A_218] : memref<1920xi32, #tpu.memory_space<vmem>> -> memref<128xi32, #tpu.memory_space<vmem>>
        %dma_wait3A_220 = arith.constant 0 : i32
        %dma_wait3A_221 = arith.constant 0 : i32
        %dma_wait3A_222 = tpu.memref_slice %arg2[%dma_wait3A_220, %dma_wait3A_221] : memref<320000x16xi32, #tpu.memory_space<hbm>> -> memref<320000x16xi32, #tpu.memory_space<hbm>>
        tpu.wait_indirect_dma semaphore(%arg16 : memref<!tpu.dma_semaphore, #tpu.memory_space<semaphore_mem>>) src(%dma_wait3A_222 : memref<320000x16xi32, #tpu.memory_space<hbm>>) dst(%dma_wait3A_217 : memref<128x16xi32, #tpu.memory_space<vmem>>)
        %dma_wait3A_223 = arith.constant 1408 : i32
        %dma_wait3A_224 = arith.constant 0 : i32
        %dma_wait3A_225 = tpu.memref_slice %arg14[%dma_wait3A_223, %dma_wait3A_224] : memref<1920x16xi32, #tpu.memory_space<vmem>> -> memref<128x16xi32, #tpu.memory_space<vmem>>
        %dma_wait3A_226 = arith.constant 1408 : i32
        %dma_wait3A_227 = tpu.memref_slice %arg13[%dma_wait3A_226] : memref<1920xi32, #tpu.memory_space<vmem>> -> memref<128xi32, #tpu.memory_space<vmem>>
        %dma_wait3A_228 = arith.constant 0 : i32
        %dma_wait3A_229 = arith.constant 0 : i32
        %dma_wait3A_230 = tpu.memref_slice %arg2[%dma_wait3A_228, %dma_wait3A_229] : memref<320000x16xi32, #tpu.memory_space<hbm>> -> memref<320000x16xi32, #tpu.memory_space<hbm>>
        tpu.wait_indirect_dma semaphore(%arg16 : memref<!tpu.dma_semaphore, #tpu.memory_space<semaphore_mem>>) src(%dma_wait3A_230 : memref<320000x16xi32, #tpu.memory_space<hbm>>) dst(%dma_wait3A_225 : memref<128x16xi32, #tpu.memory_space<vmem>>)
        %dma_wait3A_231 = arith.constant 1536 : i32
        %dma_wait3A_232 = arith.constant 0 : i32
        %dma_wait3A_233 = tpu.memref_slice %arg14[%dma_wait3A_231, %dma_wait3A_232] : memref<1920x16xi32, #tpu.memory_space<vmem>> -> memref<128x16xi32, #tpu.memory_space<vmem>>
        %dma_wait3A_234 = arith.constant 1536 : i32
        %dma_wait3A_235 = tpu.memref_slice %arg13[%dma_wait3A_234] : memref<1920xi32, #tpu.memory_space<vmem>> -> memref<128xi32, #tpu.memory_space<vmem>>
        %dma_wait3A_236 = arith.constant 0 : i32
        %dma_wait3A_237 = arith.constant 0 : i32
        %dma_wait3A_238 = tpu.memref_slice %arg2[%dma_wait3A_236, %dma_wait3A_237] : memref<320000x16xi32, #tpu.memory_space<hbm>> -> memref<320000x16xi32, #tpu.memory_space<hbm>>
        tpu.wait_indirect_dma semaphore(%arg16 : memref<!tpu.dma_semaphore, #tpu.memory_space<semaphore_mem>>) src(%dma_wait3A_238 : memref<320000x16xi32, #tpu.memory_space<hbm>>) dst(%dma_wait3A_233 : memref<128x16xi32, #tpu.memory_space<vmem>>)
        %dma_wait3A_239 = arith.constant 1664 : i32
        %dma_wait3A_240 = arith.constant 0 : i32
        %dma_wait3A_241 = tpu.memref_slice %arg14[%dma_wait3A_239, %dma_wait3A_240] : memref<1920x16xi32, #tpu.memory_space<vmem>> -> memref<128x16xi32, #tpu.memory_space<vmem>>
        %dma_wait3A_242 = arith.constant 1664 : i32
        %dma_wait3A_243 = tpu.memref_slice %arg13[%dma_wait3A_242] : memref<1920xi32, #tpu.memory_space<vmem>> -> memref<128xi32, #tpu.memory_space<vmem>>
        %dma_wait3A_244 = arith.constant 0 : i32
        %dma_wait3A_245 = arith.constant 0 : i32
        %dma_wait3A_246 = tpu.memref_slice %arg2[%dma_wait3A_244, %dma_wait3A_245] : memref<320000x16xi32, #tpu.memory_space<hbm>> -> memref<320000x16xi32, #tpu.memory_space<hbm>>
        tpu.wait_indirect_dma semaphore(%arg16 : memref<!tpu.dma_semaphore, #tpu.memory_space<semaphore_mem>>) src(%dma_wait3A_246 : memref<320000x16xi32, #tpu.memory_space<hbm>>) dst(%dma_wait3A_241 : memref<128x16xi32, #tpu.memory_space<vmem>>)
        %dma_wait3A_247 = arith.constant 1792 : i32
        %dma_wait3A_248 = arith.constant 0 : i32
        %dma_wait3A_249 = tpu.memref_slice %arg14[%dma_wait3A_247, %dma_wait3A_248] : memref<1920x16xi32, #tpu.memory_space<vmem>> -> memref<128x16xi32, #tpu.memory_space<vmem>>
        %dma_wait3A_250 = arith.constant 1792 : i32
        %dma_wait3A_251 = tpu.memref_slice %arg13[%dma_wait3A_250] : memref<1920xi32, #tpu.memory_space<vmem>> -> memref<128xi32, #tpu.memory_space<vmem>>
        %dma_wait3A_252 = arith.constant 0 : i32
        %dma_wait3A_253 = arith.constant 0 : i32
        %dma_wait3A_254 = tpu.memref_slice %arg2[%dma_wait3A_252, %dma_wait3A_253] : memref<320000x16xi32, #tpu.memory_space<hbm>> -> memref<320000x16xi32, #tpu.memory_space<hbm>>
        tpu.wait_indirect_dma semaphore(%arg16 : memref<!tpu.dma_semaphore, #tpu.memory_space<semaphore_mem>>) src(%dma_wait3A_254 : memref<320000x16xi32, #tpu.memory_space<hbm>>) dst(%dma_wait3A_249 : memref<128x16xi32, #tpu.memory_space<vmem>>)
        %scan3A_255 = arith.constant 0 : i32
        %scan3A_256 = arith.constant 120 : i32
        %scan3A_257 = arith.addi %scan3A_255, %scan3A_256 : i32
        %scan3A_258 = arith.constant 1 : i32
        scf.for %scan3A_422 = %scan3A_255 to %scan3A_257 step %scan3A_258  : i32 {
          %mul3A_423 = arith.constant 1 : i32
          %mul3A_424 = arith.muli %scan3A_422, %mul3A_423 : i32
          %add3A_425 = arith.constant 0 : i32
          %add3A_426 = arith.addi %add3A_425, %mul3A_424 : i32
          %iota3A = tpu.iota {dimensions = array<i32: 0>} : vector<16xi32>
          %mul3A_427 = arith.constant 16 : i32
          %mul3A_428 = arith.muli %add3A_426, %mul3A_427 : i32
          %add3A_429 = vector.broadcast %mul3A_428 : i32 to vector<16xi32>
          %add3A_430 = arith.addi %iota3A, %add3A_429 : vector<16xi32>
          %add3A_431 = arith.constant 0 : i32
          %add3A_432 = vector.broadcast %add3A_431 : i32 to vector<16xi32>
          %add3A_433 = arith.addi %iota3A, %add3A_432 : vector<16xi32>
          %ge3A = arith.constant 18 : i32
          %ge3A_434 = vector.broadcast %ge3A : i32 to vector<16xi32>
          %ge3A_435 = arith.cmpi sge, %add3A_433, %ge3A_434 : vector<16xi32>
          %sub3A = arith.constant 18 : i32
          %sub3A_436 = vector.broadcast %sub3A : i32 to vector<16xi32>
          %sub3A_437 = arith.subi %add3A_433, %sub3A_436 : vector<16xi32>
          %select_n3A = arith.select %ge3A_435, %sub3A_437, %add3A_433 : vector<16xi1>, vector<16xi32>
          %ge3A_438 = arith.constant 9 : i32
          %ge3A_439 = vector.broadcast %ge3A_438 : i32 to vector<16xi32>
          %ge3A_440 = arith.cmpi sge, %select_n3A, %ge3A_439 : vector<16xi32>
          %sub3A_441 = arith.constant 9 : i32
          %sub3A_442 = vector.broadcast %sub3A_441 : i32 to vector<16xi32>
          %sub3A_443 = arith.subi %select_n3A, %sub3A_442 : vector<16xi32>
          %select_n3A_444 = arith.select %ge3A_440, %sub3A_443, %select_n3A : vector<16xi1>, vector<16xi32>
          %gather3A = tpu.vector_load_idx %arg14[%add3A_430, %select_n3A_444] : memref<1920x16xi32, #tpu.memory_space<vmem>>[vector<16xi32>, vector<16xi32>], vector<16xi32>,
          tpu.vector_store_idx %arg15[%select_n3A_444, %add3A_430], %gather3A : memref<9x1920xi32, #tpu.memory_space<vmem>>[vector<16xi32>, vector<16xi32>], vector<16xi32>,
          %add3A_445 = arith.constant 1 : i32
          %add3A_446 = vector.broadcast %add3A_445 : i32 to vector<16xi32>
          %add3A_447 = arith.addi %iota3A, %add3A_446 : vector<16xi32>
          %ge3A_448 = arith.constant 18 : i32
          %ge3A_449 = vector.broadcast %ge3A_448 : i32 to vector<16xi32>
          %ge3A_450 = arith.cmpi sge, %add3A_447, %ge3A_449 : vector<16xi32>
          %sub3A_451 = arith.constant 18 : i32
          %sub3A_452 = vector.broadcast %sub3A_451 : i32 to vector<16xi32>
          %sub3A_453 = arith.subi %add3A_447, %sub3A_452 : vector<16xi32>
          %select_n3A_454 = arith.select %ge3A_450, %sub3A_453, %add3A_447 : vector<16xi1>, vector<16xi32>
          %ge3A_455 = arith.constant 9 : i32
          %ge3A_456 = vector.broadcast %ge3A_455 : i32 to vector<16xi32>
          %ge3A_457 = arith.cmpi sge, %select_n3A_454, %ge3A_456 : vector<16xi32>
          %sub3A_458 = arith.constant 9 : i32
          %sub3A_459 = vector.broadcast %sub3A_458 : i32 to vector<16xi32>
          %sub3A_460 = arith.subi %select_n3A_454, %sub3A_459 : vector<16xi32>
          %select_n3A_461 = arith.select %ge3A_457, %sub3A_460, %select_n3A_454 : vector<16xi1>, vector<16xi32>
          %gather3A_462 = tpu.vector_load_idx %arg14[%add3A_430, %select_n3A_461] : memref<1920x16xi32, #tpu.memory_space<vmem>>[vector<16xi32>, vector<16xi32>], vector<16xi32>,
          tpu.vector_store_idx %arg15[%select_n3A_461, %add3A_430], %gather3A_462 : memref<9x1920xi32, #tpu.memory_space<vmem>>[vector<16xi32>, vector<16xi32>], vector<16xi32>,
          %add3A_463 = arith.constant 2 : i32
          %add3A_464 = vector.broadcast %add3A_463 : i32 to vector<16xi32>
          %add3A_465 = arith.addi %iota3A, %add3A_464 : vector<16xi32>
          %ge3A_466 = arith.constant 18 : i32
          %ge3A_467 = vector.broadcast %ge3A_466 : i32 to vector<16xi32>
          %ge3A_468 = arith.cmpi sge, %add3A_465, %ge3A_467 : vector<16xi32>
          %sub3A_469 = arith.constant 18 : i32
          %sub3A_470 = vector.broadcast %sub3A_469 : i32 to vector<16xi32>
          %sub3A_471 = arith.subi %add3A_465, %sub3A_470 : vector<16xi32>
          %select_n3A_472 = arith.select %ge3A_468, %sub3A_471, %add3A_465 : vector<16xi1>, vector<16xi32>
          %ge3A_473 = arith.constant 9 : i32
          %ge3A_474 = vector.broadcast %ge3A_473 : i32 to vector<16xi32>
          %ge3A_475 = arith.cmpi sge, %select_n3A_472, %ge3A_474 : vector<16xi32>
          %sub3A_476 = arith.constant 9 : i32
          %sub3A_477 = vector.broadcast %sub3A_476 : i32 to vector<16xi32>
          %sub3A_478 = arith.subi %select_n3A_472, %sub3A_477 : vector<16xi32>
          %select_n3A_479 = arith.select %ge3A_475, %sub3A_478, %select_n3A_472 : vector<16xi1>, vector<16xi32>
          %gather3A_480 = tpu.vector_load_idx %arg14[%add3A_430, %select_n3A_479] : memref<1920x16xi32, #tpu.memory_space<vmem>>[vector<16xi32>, vector<16xi32>], vector<16xi32>,
          tpu.vector_store_idx %arg15[%select_n3A_479, %add3A_430], %gather3A_480 : memref<9x1920xi32, #tpu.memory_space<vmem>>[vector<16xi32>, vector<16xi32>], vector<16xi32>,
          %add3A_481 = arith.constant 3 : i32
          %add3A_482 = vector.broadcast %add3A_481 : i32 to vector<16xi32>
          %add3A_483 = arith.addi %iota3A, %add3A_482 : vector<16xi32>
          %ge3A_484 = arith.constant 18 : i32
          %ge3A_485 = vector.broadcast %ge3A_484 : i32 to vector<16xi32>
          %ge3A_486 = arith.cmpi sge, %add3A_483, %ge3A_485 : vector<16xi32>
          %sub3A_487 = arith.constant 18 : i32
          %sub3A_488 = vector.broadcast %sub3A_487 : i32 to vector<16xi32>
          %sub3A_489 = arith.subi %add3A_483, %sub3A_488 : vector<16xi32>
          %select_n3A_490 = arith.select %ge3A_486, %sub3A_489, %add3A_483 : vector<16xi1>, vector<16xi32>
          %ge3A_491 = arith.constant 9 : i32
          %ge3A_492 = vector.broadcast %ge3A_491 : i32 to vector<16xi32>
          %ge3A_493 = arith.cmpi sge, %select_n3A_490, %ge3A_492 : vector<16xi32>
          %sub3A_494 = arith.constant 9 : i32
          %sub3A_495 = vector.broadcast %sub3A_494 : i32 to vector<16xi32>
          %sub3A_496 = arith.subi %select_n3A_490, %sub3A_495 : vector<16xi32>
          %select_n3A_497 = arith.select %ge3A_493, %sub3A_496, %select_n3A_490 : vector<16xi1>, vector<16xi32>
          %gather3A_498 = tpu.vector_load_idx %arg14[%add3A_430, %select_n3A_497] : memref<1920x16xi32, #tpu.memory_space<vmem>>[vector<16xi32>, vector<16xi32>], vector<16xi32>,
          tpu.vector_store_idx %arg15[%select_n3A_497, %add3A_430], %gather3A_498 : memref<9x1920xi32, #tpu.memory_space<vmem>>[vector<16xi32>, vector<16xi32>], vector<16xi32>,
          %add3A_499 = arith.constant 4 : i32
          %add3A_500 = vector.broadcast %add3A_499 : i32 to vector<16xi32>
          %add3A_501 = arith.addi %iota3A, %add3A_500 : vector<16xi32>
          %ge3A_502 = arith.constant 18 : i32
          %ge3A_503 = vector.broadcast %ge3A_502 : i32 to vector<16xi32>
          %ge3A_504 = arith.cmpi sge, %add3A_501, %ge3A_503 : vector<16xi32>
          %sub3A_505 = arith.constant 18 : i32
          %sub3A_506 = vector.broadcast %sub3A_505 : i32 to vector<16xi32>
          %sub3A_507 = arith.subi %add3A_501, %sub3A_506 : vector<16xi32>
          %select_n3A_508 = arith.select %ge3A_504, %sub3A_507, %add3A_501 : vector<16xi1>, vector<16xi32>
          %ge3A_509 = arith.constant 9 : i32
          %ge3A_510 = vector.broadcast %ge3A_509 : i32 to vector<16xi32>
          %ge3A_511 = arith.cmpi sge, %select_n3A_508, %ge3A_510 : vector<16xi32>
          %sub3A_512 = arith.constant 9 : i32
          %sub3A_513 = vector.broadcast %sub3A_512 : i32 to vector<16xi32>
          %sub3A_514 = arith.subi %select_n3A_508, %sub3A_513 : vector<16xi32>
          %select_n3A_515 = arith.select %ge3A_511, %sub3A_514, %select_n3A_508 : vector<16xi1>, vector<16xi32>
          %gather3A_516 = tpu.vector_load_idx %arg14[%add3A_430, %select_n3A_515] : memref<1920x16xi32, #tpu.memory_space<vmem>>[vector<16xi32>, vector<16xi32>], vector<16xi32>,
          tpu.vector_store_idx %arg15[%select_n3A_515, %add3A_430], %gather3A_516 : memref<9x1920xi32, #tpu.memory_space<vmem>>[vector<16xi32>, vector<16xi32>], vector<16xi32>,
          %add3A_517 = arith.constant 5 : i32
          %add3A_518 = vector.broadcast %add3A_517 : i32 to vector<16xi32>
          %add3A_519 = arith.addi %iota3A, %add3A_518 : vector<16xi32>
          %ge3A_520 = arith.constant 18 : i32
          %ge3A_521 = vector.broadcast %ge3A_520 : i32 to vector<16xi32>
          %ge3A_522 = arith.cmpi sge, %add3A_519, %ge3A_521 : vector<16xi32>
          %sub3A_523 = arith.constant 18 : i32
          %sub3A_524 = vector.broadcast %sub3A_523 : i32 to vector<16xi32>
          %sub3A_525 = arith.subi %add3A_519, %sub3A_524 : vector<16xi32>
          %select_n3A_526 = arith.select %ge3A_522, %sub3A_525, %add3A_519 : vector<16xi1>, vector<16xi32>
          %ge3A_527 = arith.constant 9 : i32
          %ge3A_528 = vector.broadcast %ge3A_527 : i32 to vector<16xi32>
          %ge3A_529 = arith.cmpi sge, %select_n3A_526, %ge3A_528 : vector<16xi32>
          %sub3A_530 = arith.constant 9 : i32
          %sub3A_531 = vector.broadcast %sub3A_530 : i32 to vector<16xi32>
          %sub3A_532 = arith.subi %select_n3A_526, %sub3A_531 : vector<16xi32>
          %select_n3A_533 = arith.select %ge3A_529, %sub3A_532, %select_n3A_526 : vector<16xi1>, vector<16xi32>
          %gather3A_534 = tpu.vector_load_idx %arg14[%add3A_430, %select_n3A_533] : memref<1920x16xi32, #tpu.memory_space<vmem>>[vector<16xi32>, vector<16xi32>], vector<16xi32>,
          tpu.vector_store_idx %arg15[%select_n3A_533, %add3A_430], %gather3A_534 : memref<9x1920xi32, #tpu.memory_space<vmem>>[vector<16xi32>, vector<16xi32>], vector<16xi32>,
          %add3A_535 = arith.constant 6 : i32
          %add3A_536 = vector.broadcast %add3A_535 : i32 to vector<16xi32>
          %add3A_537 = arith.addi %iota3A, %add3A_536 : vector<16xi32>
          %ge3A_538 = arith.constant 18 : i32
          %ge3A_539 = vector.broadcast %ge3A_538 : i32 to vector<16xi32>
          %ge3A_540 = arith.cmpi sge, %add3A_537, %ge3A_539 : vector<16xi32>
          %sub3A_541 = arith.constant 18 : i32
          %sub3A_542 = vector.broadcast %sub3A_541 : i32 to vector<16xi32>
          %sub3A_543 = arith.subi %add3A_537, %sub3A_542 : vector<16xi32>
          %select_n3A_544 = arith.select %ge3A_540, %sub3A_543, %add3A_537 : vector<16xi1>, vector<16xi32>
          %ge3A_545 = arith.constant 9 : i32
          %ge3A_546 = vector.broadcast %ge3A_545 : i32 to vector<16xi32>
          %ge3A_547 = arith.cmpi sge, %select_n3A_544, %ge3A_546 : vector<16xi32>
          %sub3A_548 = arith.constant 9 : i32
          %sub3A_549 = vector.broadcast %sub3A_548 : i32 to vector<16xi32>
          %sub3A_550 = arith.subi %select_n3A_544, %sub3A_549 : vector<16xi32>
          %select_n3A_551 = arith.select %ge3A_547, %sub3A_550, %select_n3A_544 : vector<16xi1>, vector<16xi32>
          %gather3A_552 = tpu.vector_load_idx %arg14[%add3A_430, %select_n3A_551] : memref<1920x16xi32, #tpu.memory_space<vmem>>[vector<16xi32>, vector<16xi32>], vector<16xi32>,
          tpu.vector_store_idx %arg15[%select_n3A_551, %add3A_430], %gather3A_552 : memref<9x1920xi32, #tpu.memory_space<vmem>>[vector<16xi32>, vector<16xi32>], vector<16xi32>,
          %add3A_553 = arith.constant 7 : i32
          %add3A_554 = vector.broadcast %add3A_553 : i32 to vector<16xi32>
          %add3A_555 = arith.addi %iota3A, %add3A_554 : vector<16xi32>
          %ge3A_556 = arith.constant 18 : i32
          %ge3A_557 = vector.broadcast %ge3A_556 : i32 to vector<16xi32>
          %ge3A_558 = arith.cmpi sge, %add3A_555, %ge3A_557 : vector<16xi32>
          %sub3A_559 = arith.constant 18 : i32
          %sub3A_560 = vector.broadcast %sub3A_559 : i32 to vector<16xi32>
          %sub3A_561 = arith.subi %add3A_555, %sub3A_560 : vector<16xi32>
          %select_n3A_562 = arith.select %ge3A_558, %sub3A_561, %add3A_555 : vector<16xi1>, vector<16xi32>
          %ge3A_563 = arith.constant 9 : i32
          %ge3A_564 = vector.broadcast %ge3A_563 : i32 to vector<16xi32>
          %ge3A_565 = arith.cmpi sge, %select_n3A_562, %ge3A_564 : vector<16xi32>
          %sub3A_566 = arith.constant 9 : i32
          %sub3A_567 = vector.broadcast %sub3A_566 : i32 to vector<16xi32>
          %sub3A_568 = arith.subi %select_n3A_562, %sub3A_567 : vector<16xi32>
          %select_n3A_569 = arith.select %ge3A_565, %sub3A_568, %select_n3A_562 : vector<16xi1>, vector<16xi32>
          %gather3A_570 = tpu.vector_load_idx %arg14[%add3A_430, %select_n3A_569] : memref<1920x16xi32, #tpu.memory_space<vmem>>[vector<16xi32>, vector<16xi32>], vector<16xi32>,
          tpu.vector_store_idx %arg15[%select_n3A_569, %add3A_430], %gather3A_570 : memref<9x1920xi32, #tpu.memory_space<vmem>>[vector<16xi32>, vector<16xi32>], vector<16xi32>,
          %add3A_571 = arith.constant 8 : i32
          %add3A_572 = vector.broadcast %add3A_571 : i32 to vector<16xi32>
          %add3A_573 = arith.addi %iota3A, %add3A_572 : vector<16xi32>
          %ge3A_574 = arith.constant 18 : i32
          %ge3A_575 = vector.broadcast %ge3A_574 : i32 to vector<16xi32>
          %ge3A_576 = arith.cmpi sge, %add3A_573, %ge3A_575 : vector<16xi32>
          %sub3A_577 = arith.constant 18 : i32
          %sub3A_578 = vector.broadcast %sub3A_577 : i32 to vector<16xi32>
          %sub3A_579 = arith.subi %add3A_573, %sub3A_578 : vector<16xi32>
          %select_n3A_580 = arith.select %ge3A_576, %sub3A_579, %add3A_573 : vector<16xi1>, vector<16xi32>
          %ge3A_581 = arith.constant 9 : i32
          %ge3A_582 = vector.broadcast %ge3A_581 : i32 to vector<16xi32>
          %ge3A_583 = arith.cmpi sge, %select_n3A_580, %ge3A_582 : vector<16xi32>
          %sub3A_584 = arith.constant 9 : i32
          %sub3A_585 = vector.broadcast %sub3A_584 : i32 to vector<16xi32>
          %sub3A_586 = arith.subi %select_n3A_580, %sub3A_585 : vector<16xi32>
          %select_n3A_587 = arith.select %ge3A_583, %sub3A_586, %select_n3A_580 : vector<16xi1>, vector<16xi32>
          %gather3A_588 = tpu.vector_load_idx %arg14[%add3A_430, %select_n3A_587] : memref<1920x16xi32, #tpu.memory_space<vmem>>[vector<16xi32>, vector<16xi32>], vector<16xi32>,
          tpu.vector_store_idx %arg15[%select_n3A_587, %add3A_430], %gather3A_588 : memref<9x1920xi32, #tpu.memory_space<vmem>>[vector<16xi32>, vector<16xi32>], vector<16xi32>,
        }
        %scan3A_259 = arith.constant 120 : i32
        %dma_start3A_260 = arith.constant 0 : i32
        %dma_start3A_261 = arith.constant 0 : i32
        %dma_start3A_262 = tpu.memref_slice %arg15[%dma_start3A_260, %dma_start3A_261] : memref<9x1920xi32, #tpu.memory_space<vmem>> -> memref<1x1920xi32, #tpu.memory_space<vmem>>
        %dma_start3A_263 = tpu.memref_squeeze %dma_start3A_262 : memref<1x1920xi32, #tpu.memory_space<vmem>> -> memref<1920xi32, #tpu.memory_space<vmem>>
        %dma_start3A_264 = tpu.memref_slice %arg4[%mul3A_16] : memref<960000xi32, #tpu.memory_space<hbm>> -> memref<1920xi32, #tpu.memory_space<hbm>>
        %dma_start3A_265 = tpu.memref_slice %arg4[%mul3A_16] : memref<960000xi32, #tpu.memory_space<hbm>> -> memref<1920xi32, #tpu.memory_space<hbm>>
        %dma_start3A_266 = arith.constant 0 : i32
        %dma_start3A_267 = tpu.memref_slice %arg15[%dma_start3A_260, %dma_start3A_266] : memref<9x1920xi32, #tpu.memory_space<vmem>> -> memref<1x1920xi32, #tpu.memory_space<vmem>>
        %dma_start3A_268 = tpu.memref_squeeze %dma_start3A_267 : memref<1x1920xi32, #tpu.memory_space<vmem>> -> memref<1920xi32, #tpu.memory_space<vmem>>
        tpu.enqueue_dma source(%dma_start3A_268 : memref<1920xi32, #tpu.memory_space<vmem>>) target(%dma_start3A_265 : memref<1920xi32, #tpu.memory_space<hbm>>) target_semaphore(%arg17 : memref<!tpu.dma_semaphore, #tpu.memory_space<semaphore_mem>>)
        %dma_start3A_269 = arith.constant 1 : i32
        %dma_start3A_270 = arith.constant 0 : i32
        %dma_start3A_271 = tpu.memref_slice %arg15[%dma_start3A_269, %dma_start3A_270] : memref<9x1920xi32, #tpu.memory_space<vmem>> -> memref<1x1920xi32, #tpu.memory_space<vmem>>
        %dma_start3A_272 = tpu.memref_squeeze %dma_start3A_271 : memref<1x1920xi32, #tpu.memory_space<vmem>> -> memref<1920xi32, #tpu.memory_space<vmem>>
        %dma_start3A_273 = tpu.memref_slice %arg5[%mul3A_16] : memref<960000xi32, #tpu.memory_space<hbm>> -> memref<1920xi32, #tpu.memory_space<hbm>>
        %dma_start3A_274 = tpu.memref_slice %arg5[%mul3A_16] : memref<960000xi32, #tpu.memory_space<hbm>> -> memref<1920xi32, #tpu.memory_space<hbm>>
        %dma_start3A_275 = arith.constant 0 : i32
        %dma_start3A_276 = tpu.memref_slice %arg15[%dma_start3A_269, %dma_start3A_275] : memref<9x1920xi32, #tpu.memory_space<vmem>> -> memref<1x1920xi32, #tpu.memory_space<vmem>>
        %dma_start3A_277 = tpu.memref_squeeze %dma_start3A_276 : memref<1x1920xi32, #tpu.memory_space<vmem>> -> memref<1920xi32, #tpu.memory_space<vmem>>
        tpu.enqueue_dma source(%dma_start3A_277 : memref<1920xi32, #tpu.memory_space<vmem>>) target(%dma_start3A_274 : memref<1920xi32, #tpu.memory_space<hbm>>) target_semaphore(%arg17 : memref<!tpu.dma_semaphore, #tpu.memory_space<semaphore_mem>>)
        %dma_start3A_278 = arith.constant 2 : i32
        %dma_start3A_279 = arith.constant 0 : i32
        %dma_start3A_280 = tpu.memref_slice %arg15[%dma_start3A_278, %dma_start3A_279] : memref<9x1920xi32, #tpu.memory_space<vmem>> -> memref<1x1920xi32, #tpu.memory_space<vmem>>
        %dma_start3A_281 = tpu.memref_squeeze %dma_start3A_280 : memref<1x1920xi32, #tpu.memory_space<vmem>> -> memref<1920xi32, #tpu.memory_space<vmem>>
        %dma_start3A_282 = tpu.memref_slice %arg6[%mul3A_16] : memref<960000xi32, #tpu.memory_space<hbm>> -> memref<1920xi32, #tpu.memory_space<hbm>>
        %dma_start3A_283 = tpu.memref_slice %arg6[%mul3A_16] : memref<960000xi32, #tpu.memory_space<hbm>> -> memref<1920xi32, #tpu.memory_space<hbm>>
        %dma_start3A_284 = arith.constant 0 : i32
        %dma_start3A_285 = tpu.memref_slice %arg15[%dma_start3A_278, %dma_start3A_284] : memref<9x1920xi32, #tpu.memory_space<vmem>> -> memref<1x1920xi32, #tpu.memory_space<vmem>>
        %dma_start3A_286 = tpu.memref_squeeze %dma_start3A_285 : memref<1x1920xi32, #tpu.memory_space<vmem>> -> memref<1920xi32, #tpu.memory_space<vmem>>
        tpu.enqueue_dma source(%dma_start3A_286 : memref<1920xi32, #tpu.memory_space<vmem>>) target(%dma_start3A_283 : memref<1920xi32, #tpu.memory_space<hbm>>) target_semaphore(%arg17 : memref<!tpu.dma_semaphore, #tpu.memory_space<semaphore_mem>>)
        %dma_start3A_287 = arith.constant 3 : i32
        %dma_start3A_288 = arith.constant 0 : i32
        %dma_start3A_289 = tpu.memref_slice %arg15[%dma_start3A_287, %dma_start3A_288] : memref<9x1920xi32, #tpu.memory_space<vmem>> -> memref<1x1920xi32, #tpu.memory_space<vmem>>
        %dma_start3A_290 = tpu.memref_squeeze %dma_start3A_289 : memref<1x1920xi32, #tpu.memory_space<vmem>> -> memref<1920xi32, #tpu.memory_space<vmem>>
        %dma_start3A_291 = tpu.memref_slice %arg7[%mul3A_16] : memref<960000xi32, #tpu.memory_space<hbm>> -> memref<1920xi32, #tpu.memory_space<hbm>>
        %dma_start3A_292 = tpu.memref_slice %arg7[%mul3A_16] : memref<960000xi32, #tpu.memory_space<hbm>> -> memref<1920xi32, #tpu.memory_space<hbm>>
        %dma_start3A_293 = arith.constant 0 : i32
        %dma_start3A_294 = tpu.memref_slice %arg15[%dma_start3A_287, %dma_start3A_293] : memref<9x1920xi32, #tpu.memory_space<vmem>> -> memref<1x1920xi32, #tpu.memory_space<vmem>>
        %dma_start3A_295 = tpu.memref_squeeze %dma_start3A_294 : memref<1x1920xi32, #tpu.memory_space<vmem>> -> memref<1920xi32, #tpu.memory_space<vmem>>
        tpu.enqueue_dma source(%dma_start3A_295 : memref<1920xi32, #tpu.memory_space<vmem>>) target(%dma_start3A_292 : memref<1920xi32, #tpu.memory_space<hbm>>) target_semaphore(%arg17 : memref<!tpu.dma_semaphore, #tpu.memory_space<semaphore_mem>>)
        %dma_start3A_296 = arith.constant 4 : i32
        %dma_start3A_297 = arith.constant 0 : i32
        %dma_start3A_298 = tpu.memref_slice %arg15[%dma_start3A_296, %dma_start3A_297] : memref<9x1920xi32, #tpu.memory_space<vmem>> -> memref<1x1920xi32, #tpu.memory_space<vmem>>
        %dma_start3A_299 = tpu.memref_squeeze %dma_start3A_298 : memref<1x1920xi32, #tpu.memory_space<vmem>> -> memref<1920xi32, #tpu.memory_space<vmem>>
        %dma_start3A_300 = tpu.memref_slice %arg8[%mul3A_16] : memref<960000xi32, #tpu.memory_space<hbm>> -> memref<1920xi32, #tpu.memory_space<hbm>>
        %dma_start3A_301 = tpu.memref_slice %arg8[%mul3A_16] : memref<960000xi32, #tpu.memory_space<hbm>> -> memref<1920xi32, #tpu.memory_space<hbm>>
        %dma_start3A_302 = arith.constant 0 : i32
        %dma_start3A_303 = tpu.memref_slice %arg15[%dma_start3A_296, %dma_start3A_302] : memref<9x1920xi32, #tpu.memory_space<vmem>> -> memref<1x1920xi32, #tpu.memory_space<vmem>>
        %dma_start3A_304 = tpu.memref_squeeze %dma_start3A_303 : memref<1x1920xi32, #tpu.memory_space<vmem>> -> memref<1920xi32, #tpu.memory_space<vmem>>
        tpu.enqueue_dma source(%dma_start3A_304 : memref<1920xi32, #tpu.memory_space<vmem>>) target(%dma_start3A_301 : memref<1920xi32, #tpu.memory_space<hbm>>) target_semaphore(%arg17 : memref<!tpu.dma_semaphore, #tpu.memory_space<semaphore_mem>>)
        %dma_start3A_305 = arith.constant 5 : i32
        %dma_start3A_306 = arith.constant 0 : i32
        %dma_start3A_307 = tpu.memref_slice %arg15[%dma_start3A_305, %dma_start3A_306] : memref<9x1920xi32, #tpu.memory_space<vmem>> -> memref<1x1920xi32, #tpu.memory_space<vmem>>
        %dma_start3A_308 = tpu.memref_squeeze %dma_start3A_307 : memref<1x1920xi32, #tpu.memory_space<vmem>> -> memref<1920xi32, #tpu.memory_space<vmem>>
        %dma_start3A_309 = tpu.memref_slice %arg9[%mul3A_16] : memref<960000xi32, #tpu.memory_space<hbm>> -> memref<1920xi32, #tpu.memory_space<hbm>>
        %dma_start3A_310 = tpu.memref_slice %arg9[%mul3A_16] : memref<960000xi32, #tpu.memory_space<hbm>> -> memref<1920xi32, #tpu.memory_space<hbm>>
        %dma_start3A_311 = arith.constant 0 : i32
        %dma_start3A_312 = tpu.memref_slice %arg15[%dma_start3A_305, %dma_start3A_311] : memref<9x1920xi32, #tpu.memory_space<vmem>> -> memref<1x1920xi32, #tpu.memory_space<vmem>>
        %dma_start3A_313 = tpu.memref_squeeze %dma_start3A_312 : memref<1x1920xi32, #tpu.memory_space<vmem>> -> memref<1920xi32, #tpu.memory_space<vmem>>
        tpu.enqueue_dma source(%dma_start3A_313 : memref<1920xi32, #tpu.memory_space<vmem>>) target(%dma_start3A_310 : memref<1920xi32, #tpu.memory_space<hbm>>) target_semaphore(%arg17 : memref<!tpu.dma_semaphore, #tpu.memory_space<semaphore_mem>>)
        %dma_start3A_314 = arith.constant 6 : i32
        %dma_start3A_315 = arith.constant 0 : i32
        %dma_start3A_316 = tpu.memref_slice %arg15[%dma_start3A_314, %dma_start3A_315] : memref<9x1920xi32, #tpu.memory_space<vmem>> -> memref<1x1920xi32, #tpu.memory_space<vmem>>
        %dma_start3A_317 = tpu.memref_squeeze %dma_start3A_316 : memref<1x1920xi32, #tpu.memory_space<vmem>> -> memref<1920xi32, #tpu.memory_space<vmem>>
        %dma_start3A_318 = tpu.memref_slice %arg10[%mul3A_16] : memref<960000xi32, #tpu.memory_space<hbm>> -> memref<1920xi32, #tpu.memory_space<hbm>>
        %dma_start3A_319 = tpu.memref_slice %arg10[%mul3A_16] : memref<960000xi32, #tpu.memory_space<hbm>> -> memref<1920xi32, #tpu.memory_space<hbm>>
        %dma_start3A_320 = arith.constant 0 : i32
        %dma_start3A_321 = tpu.memref_slice %arg15[%dma_start3A_314, %dma_start3A_320] : memref<9x1920xi32, #tpu.memory_space<vmem>> -> memref<1x1920xi32, #tpu.memory_space<vmem>>
        %dma_start3A_322 = tpu.memref_squeeze %dma_start3A_321 : memref<1x1920xi32, #tpu.memory_space<vmem>> -> memref<1920xi32, #tpu.memory_space<vmem>>
        tpu.enqueue_dma source(%dma_start3A_322 : memref<1920xi32, #tpu.memory_space<vmem>>) target(%dma_start3A_319 : memref<1920xi32, #tpu.memory_space<hbm>>) target_semaphore(%arg17 : memref<!tpu.dma_semaphore, #tpu.memory_space<semaphore_mem>>)
        %dma_start3A_323 = arith.constant 7 : i32
        %dma_start3A_324 = arith.constant 0 : i32
        %dma_start3A_325 = tpu.memref_slice %arg15[%dma_start3A_323, %dma_start3A_324] : memref<9x1920xi32, #tpu.memory_space<vmem>> -> memref<1x1920xi32, #tpu.memory_space<vmem>>
        %dma_start3A_326 = tpu.memref_squeeze %dma_start3A_325 : memref<1x1920xi32, #tpu.memory_space<vmem>> -> memref<1920xi32, #tpu.memory_space<vmem>>
        %dma_start3A_327 = tpu.memref_slice %arg11[%mul3A_16] : memref<960000xi32, #tpu.memory_space<hbm>> -> memref<1920xi32, #tpu.memory_space<hbm>>
        %dma_start3A_328 = tpu.memref_slice %arg11[%mul3A_16] : memref<960000xi32, #tpu.memory_space<hbm>> -> memref<1920xi32, #tpu.memory_space<hbm>>
        %dma_start3A_329 = arith.constant 0 : i32
        %dma_start3A_330 = tpu.memref_slice %arg15[%dma_start3A_323, %dma_start3A_329] : memref<9x1920xi32, #tpu.memory_space<vmem>> -> memref<1x1920xi32, #tpu.memory_space<vmem>>
        %dma_start3A_331 = tpu.memref_squeeze %dma_start3A_330 : memref<1x1920xi32, #tpu.memory_space<vmem>> -> memref<1920xi32, #tpu.memory_space<vmem>>
        tpu.enqueue_dma source(%dma_start3A_331 : memref<1920xi32, #tpu.memory_space<vmem>>) target(%dma_start3A_328 : memref<1920xi32, #tpu.memory_space<hbm>>) target_semaphore(%arg17 : memref<!tpu.dma_semaphore, #tpu.memory_space<semaphore_mem>>)
        %dma_start3A_332 = arith.constant 8 : i32
        %dma_start3A_333 = arith.constant 0 : i32
        %dma_start3A_334 = tpu.memref_slice %arg15[%dma_start3A_332, %dma_start3A_333] : memref<9x1920xi32, #tpu.memory_space<vmem>> -> memref<1x1920xi32, #tpu.memory_space<vmem>>
        %dma_start3A_335 = tpu.memref_squeeze %dma_start3A_334 : memref<1x1920xi32, #tpu.memory_space<vmem>> -> memref<1920xi32, #tpu.memory_space<vmem>>
        %dma_start3A_336 = tpu.memref_slice %arg12[%mul3A_16] : memref<960000xi32, #tpu.memory_space<hbm>> -> memref<1920xi32, #tpu.memory_space<hbm>>
        %dma_start3A_337 = tpu.memref_slice %arg12[%mul3A_16] : memref<960000xi32, #tpu.memory_space<hbm>> -> memref<1920xi32, #tpu.memory_space<hbm>>
        %dma_start3A_338 = arith.constant 0 : i32
        %dma_start3A_339 = tpu.memref_slice %arg15[%dma_start3A_332, %dma_start3A_338] : memref<9x1920xi32, #tpu.memory_space<vmem>> -> memref<1x1920xi32, #tpu.memory_space<vmem>>
        %dma_start3A_340 = tpu.memref_squeeze %dma_start3A_339 : memref<1x1920xi32, #tpu.memory_space<vmem>> -> memref<1920xi32, #tpu.memory_space<vmem>>
        tpu.enqueue_dma source(%dma_start3A_340 : memref<1920xi32, #tpu.memory_space<vmem>>) target(%dma_start3A_337 : memref<1920xi32, #tpu.memory_space<hbm>>) target_semaphore(%arg17 : memref<!tpu.dma_semaphore, #tpu.memory_space<semaphore_mem>>)
        %dma_wait3A_341 = arith.constant 0 : i32
        %dma_wait3A_342 = arith.constant 0 : i32
        %dma_wait3A_343 = tpu.memref_slice %arg15[%dma_wait3A_341, %dma_wait3A_342] : memref<9x1920xi32, #tpu.memory_space<vmem>> -> memref<1x1920xi32, #tpu.memory_space<vmem>>
        %dma_wait3A_344 = tpu.memref_squeeze %dma_wait3A_343 : memref<1x1920xi32, #tpu.memory_space<vmem>> -> memref<1920xi32, #tpu.memory_space<vmem>>
        %dma_wait3A_345 = tpu.memref_slice %arg4[%mul3A_16] : memref<960000xi32, #tpu.memory_space<hbm>> -> memref<1920xi32, #tpu.memory_space<hbm>>
        %dma_wait3A_346 = tpu.memref_slice %arg4[%mul3A_16] : memref<960000xi32, #tpu.memory_space<hbm>> -> memref<1920xi32, #tpu.memory_space<hbm>>
        %dma_wait3A_347 = arith.constant 0 : i32
        %dma_wait3A_348 = tpu.memref_slice %arg15[%dma_wait3A_341, %dma_wait3A_347] : memref<9x1920xi32, #tpu.memory_space<vmem>> -> memref<1x1920xi32, #tpu.memory_space<vmem>>
        %dma_wait3A_349 = tpu.memref_squeeze %dma_wait3A_348 : memref<1x1920xi32, #tpu.memory_space<vmem>> -> memref<1920xi32, #tpu.memory_space<vmem>>
        tpu.wait_dma2 semaphore(%arg17 : memref<!tpu.dma_semaphore, #tpu.memory_space<semaphore_mem>>) src(%dma_wait3A_349 : memref<1920xi32, #tpu.memory_space<vmem>>) dst(%dma_wait3A_346 : memref<1920xi32, #tpu.memory_space<hbm>>)
        %dma_wait3A_350 = arith.constant 1 : i32
        %dma_wait3A_351 = arith.constant 0 : i32
        %dma_wait3A_352 = tpu.memref_slice %arg15[%dma_wait3A_350, %dma_wait3A_351] : memref<9x1920xi32, #tpu.memory_space<vmem>> -> memref<1x1920xi32, #tpu.memory_space<vmem>>
        %dma_wait3A_353 = tpu.memref_squeeze %dma_wait3A_352 : memref<1x1920xi32, #tpu.memory_space<vmem>> -> memref<1920xi32, #tpu.memory_space<vmem>>
        %dma_wait3A_354 = tpu.memref_slice %arg5[%mul3A_16] : memref<960000xi32, #tpu.memory_space<hbm>> -> memref<1920xi32, #tpu.memory_space<hbm>>
        %dma_wait3A_355 = tpu.memref_slice %arg5[%mul3A_16] : memref<960000xi32, #tpu.memory_space<hbm>> -> memref<1920xi32, #tpu.memory_space<hbm>>
        %dma_wait3A_356 = arith.constant 0 : i32
        %dma_wait3A_357 = tpu.memref_slice %arg15[%dma_wait3A_350, %dma_wait3A_356] : memref<9x1920xi32, #tpu.memory_space<vmem>> -> memref<1x1920xi32, #tpu.memory_space<vmem>>
        %dma_wait3A_358 = tpu.memref_squeeze %dma_wait3A_357 : memref<1x1920xi32, #tpu.memory_space<vmem>> -> memref<1920xi32, #tpu.memory_space<vmem>>
        tpu.wait_dma2 semaphore(%arg17 : memref<!tpu.dma_semaphore, #tpu.memory_space<semaphore_mem>>) src(%dma_wait3A_358 : memref<1920xi32, #tpu.memory_space<vmem>>) dst(%dma_wait3A_355 : memref<1920xi32, #tpu.memory_space<hbm>>)
        %dma_wait3A_359 = arith.constant 2 : i32
        %dma_wait3A_360 = arith.constant 0 : i32
        %dma_wait3A_361 = tpu.memref_slice %arg15[%dma_wait3A_359, %dma_wait3A_360] : memref<9x1920xi32, #tpu.memory_space<vmem>> -> memref<1x1920xi32, #tpu.memory_space<vmem>>
        %dma_wait3A_362 = tpu.memref_squeeze %dma_wait3A_361 : memref<1x1920xi32, #tpu.memory_space<vmem>> -> memref<1920xi32, #tpu.memory_space<vmem>>
        %dma_wait3A_363 = tpu.memref_slice %arg6[%mul3A_16] : memref<960000xi32, #tpu.memory_space<hbm>> -> memref<1920xi32, #tpu.memory_space<hbm>>
        %dma_wait3A_364 = tpu.memref_slice %arg6[%mul3A_16] : memref<960000xi32, #tpu.memory_space<hbm>> -> memref<1920xi32, #tpu.memory_space<hbm>>
        %dma_wait3A_365 = arith.constant 0 : i32
        %dma_wait3A_366 = tpu.memref_slice %arg15[%dma_wait3A_359, %dma_wait3A_365] : memref<9x1920xi32, #tpu.memory_space<vmem>> -> memref<1x1920xi32, #tpu.memory_space<vmem>>
        %dma_wait3A_367 = tpu.memref_squeeze %dma_wait3A_366 : memref<1x1920xi32, #tpu.memory_space<vmem>> -> memref<1920xi32, #tpu.memory_space<vmem>>
        tpu.wait_dma2 semaphore(%arg17 : memref<!tpu.dma_semaphore, #tpu.memory_space<semaphore_mem>>) src(%dma_wait3A_367 : memref<1920xi32, #tpu.memory_space<vmem>>) dst(%dma_wait3A_364 : memref<1920xi32, #tpu.memory_space<hbm>>)
        %dma_wait3A_368 = arith.constant 3 : i32
        %dma_wait3A_369 = arith.constant 0 : i32
        %dma_wait3A_370 = tpu.memref_slice %arg15[%dma_wait3A_368, %dma_wait3A_369] : memref<9x1920xi32, #tpu.memory_space<vmem>> -> memref<1x1920xi32, #tpu.memory_space<vmem>>
        %dma_wait3A_371 = tpu.memref_squeeze %dma_wait3A_370 : memref<1x1920xi32, #tpu.memory_space<vmem>> -> memref<1920xi32, #tpu.memory_space<vmem>>
        %dma_wait3A_372 = tpu.memref_slice %arg7[%mul3A_16] : memref<960000xi32, #tpu.memory_space<hbm>> -> memref<1920xi32, #tpu.memory_space<hbm>>
        %dma_wait3A_373 = tpu.memref_slice %arg7[%mul3A_16] : memref<960000xi32, #tpu.memory_space<hbm>> -> memref<1920xi32, #tpu.memory_space<hbm>>
        %dma_wait3A_374 = arith.constant 0 : i32
        %dma_wait3A_375 = tpu.memref_slice %arg15[%dma_wait3A_368, %dma_wait3A_374] : memref<9x1920xi32, #tpu.memory_space<vmem>> -> memref<1x1920xi32, #tpu.memory_space<vmem>>
        %dma_wait3A_376 = tpu.memref_squeeze %dma_wait3A_375 : memref<1x1920xi32, #tpu.memory_space<vmem>> -> memref<1920xi32, #tpu.memory_space<vmem>>
        tpu.wait_dma2 semaphore(%arg17 : memref<!tpu.dma_semaphore, #tpu.memory_space<semaphore_mem>>) src(%dma_wait3A_376 : memref<1920xi32, #tpu.memory_space<vmem>>) dst(%dma_wait3A_373 : memref<1920xi32, #tpu.memory_space<hbm>>)
        %dma_wait3A_377 = arith.constant 4 : i32
        %dma_wait3A_378 = arith.constant 0 : i32
        %dma_wait3A_379 = tpu.memref_slice %arg15[%dma_wait3A_377, %dma_wait3A_378] : memref<9x1920xi32, #tpu.memory_space<vmem>> -> memref<1x1920xi32, #tpu.memory_space<vmem>>
        %dma_wait3A_380 = tpu.memref_squeeze %dma_wait3A_379 : memref<1x1920xi32, #tpu.memory_space<vmem>> -> memref<1920xi32, #tpu.memory_space<vmem>>
        %dma_wait3A_381 = tpu.memref_slice %arg8[%mul3A_16] : memref<960000xi32, #tpu.memory_space<hbm>> -> memref<1920xi32, #tpu.memory_space<hbm>>
        %dma_wait3A_382 = tpu.memref_slice %arg8[%mul3A_16] : memref<960000xi32, #tpu.memory_space<hbm>> -> memref<1920xi32, #tpu.memory_space<hbm>>
        %dma_wait3A_383 = arith.constant 0 : i32
        %dma_wait3A_384 = tpu.memref_slice %arg15[%dma_wait3A_377, %dma_wait3A_383] : memref<9x1920xi32, #tpu.memory_space<vmem>> -> memref<1x1920xi32, #tpu.memory_space<vmem>>
        %dma_wait3A_385 = tpu.memref_squeeze %dma_wait3A_384 : memref<1x1920xi32, #tpu.memory_space<vmem>> -> memref<1920xi32, #tpu.memory_space<vmem>>
        tpu.wait_dma2 semaphore(%arg17 : memref<!tpu.dma_semaphore, #tpu.memory_space<semaphore_mem>>) src(%dma_wait3A_385 : memref<1920xi32, #tpu.memory_space<vmem>>) dst(%dma_wait3A_382 : memref<1920xi32, #tpu.memory_space<hbm>>)
        %dma_wait3A_386 = arith.constant 5 : i32
        %dma_wait3A_387 = arith.constant 0 : i32
        %dma_wait3A_388 = tpu.memref_slice %arg15[%dma_wait3A_386, %dma_wait3A_387] : memref<9x1920xi32, #tpu.memory_space<vmem>> -> memref<1x1920xi32, #tpu.memory_space<vmem>>
        %dma_wait3A_389 = tpu.memref_squeeze %dma_wait3A_388 : memref<1x1920xi32, #tpu.memory_space<vmem>> -> memref<1920xi32, #tpu.memory_space<vmem>>
        %dma_wait3A_390 = tpu.memref_slice %arg9[%mul3A_16] : memref<960000xi32, #tpu.memory_space<hbm>> -> memref<1920xi32, #tpu.memory_space<hbm>>
        %dma_wait3A_391 = tpu.memref_slice %arg9[%mul3A_16] : memref<960000xi32, #tpu.memory_space<hbm>> -> memref<1920xi32, #tpu.memory_space<hbm>>
        %dma_wait3A_392 = arith.constant 0 : i32
        %dma_wait3A_393 = tpu.memref_slice %arg15[%dma_wait3A_386, %dma_wait3A_392] : memref<9x1920xi32, #tpu.memory_space<vmem>> -> memref<1x1920xi32, #tpu.memory_space<vmem>>
        %dma_wait3A_394 = tpu.memref_squeeze %dma_wait3A_393 : memref<1x1920xi32, #tpu.memory_space<vmem>> -> memref<1920xi32, #tpu.memory_space<vmem>>
        tpu.wait_dma2 semaphore(%arg17 : memref<!tpu.dma_semaphore, #tpu.memory_space<semaphore_mem>>) src(%dma_wait3A_394 : memref<1920xi32, #tpu.memory_space<vmem>>) dst(%dma_wait3A_391 : memref<1920xi32, #tpu.memory_space<hbm>>)
        %dma_wait3A_395 = arith.constant 6 : i32
        %dma_wait3A_396 = arith.constant 0 : i32
        %dma_wait3A_397 = tpu.memref_slice %arg15[%dma_wait3A_395, %dma_wait3A_396] : memref<9x1920xi32, #tpu.memory_space<vmem>> -> memref<1x1920xi32, #tpu.memory_space<vmem>>
        %dma_wait3A_398 = tpu.memref_squeeze %dma_wait3A_397 : memref<1x1920xi32, #tpu.memory_space<vmem>> -> memref<1920xi32, #tpu.memory_space<vmem>>
        %dma_wait3A_399 = tpu.memref_slice %arg10[%mul3A_16] : memref<960000xi32, #tpu.memory_space<hbm>> -> memref<1920xi32, #tpu.memory_space<hbm>>
        %dma_wait3A_400 = tpu.memref_slice %arg10[%mul3A_16] : memref<960000xi32, #tpu.memory_space<hbm>> -> memref<1920xi32, #tpu.memory_space<hbm>>
        %dma_wait3A_401 = arith.constant 0 : i32
        %dma_wait3A_402 = tpu.memref_slice %arg15[%dma_wait3A_395, %dma_wait3A_401] : memref<9x1920xi32, #tpu.memory_space<vmem>> -> memref<1x1920xi32, #tpu.memory_space<vmem>>
        %dma_wait3A_403 = tpu.memref_squeeze %dma_wait3A_402 : memref<1x1920xi32, #tpu.memory_space<vmem>> -> memref<1920xi32, #tpu.memory_space<vmem>>
        tpu.wait_dma2 semaphore(%arg17 : memref<!tpu.dma_semaphore, #tpu.memory_space<semaphore_mem>>) src(%dma_wait3A_403 : memref<1920xi32, #tpu.memory_space<vmem>>) dst(%dma_wait3A_400 : memref<1920xi32, #tpu.memory_space<hbm>>)
        %dma_wait3A_404 = arith.constant 7 : i32
        %dma_wait3A_405 = arith.constant 0 : i32
        %dma_wait3A_406 = tpu.memref_slice %arg15[%dma_wait3A_404, %dma_wait3A_405] : memref<9x1920xi32, #tpu.memory_space<vmem>> -> memref<1x1920xi32, #tpu.memory_space<vmem>>
        %dma_wait3A_407 = tpu.memref_squeeze %dma_wait3A_406 : memref<1x1920xi32, #tpu.memory_space<vmem>> -> memref<1920xi32, #tpu.memory_space<vmem>>
        %dma_wait3A_408 = tpu.memref_slice %arg11[%mul3A_16] : memref<960000xi32, #tpu.memory_space<hbm>> -> memref<1920xi32, #tpu.memory_space<hbm>>
        %dma_wait3A_409 = tpu.memref_slice %arg11[%mul3A_16] : memref<960000xi32, #tpu.memory_space<hbm>> -> memref<1920xi32, #tpu.memory_space<hbm>>
        %dma_wait3A_410 = arith.constant 0 : i32
        %dma_wait3A_411 = tpu.memref_slice %arg15[%dma_wait3A_404, %dma_wait3A_410] : memref<9x1920xi32, #tpu.memory_space<vmem>> -> memref<1x1920xi32, #tpu.memory_space<vmem>>
        %dma_wait3A_412 = tpu.memref_squeeze %dma_wait3A_411 : memref<1x1920xi32, #tpu.memory_space<vmem>> -> memref<1920xi32, #tpu.memory_space<vmem>>
        tpu.wait_dma2 semaphore(%arg17 : memref<!tpu.dma_semaphore, #tpu.memory_space<semaphore_mem>>) src(%dma_wait3A_412 : memref<1920xi32, #tpu.memory_space<vmem>>) dst(%dma_wait3A_409 : memref<1920xi32, #tpu.memory_space<hbm>>)
        %dma_wait3A_413 = arith.constant 8 : i32
        %dma_wait3A_414 = arith.constant 0 : i32
        %dma_wait3A_415 = tpu.memref_slice %arg15[%dma_wait3A_413, %dma_wait3A_414] : memref<9x1920xi32, #tpu.memory_space<vmem>> -> memref<1x1920xi32, #tpu.memory_space<vmem>>
        %dma_wait3A_416 = tpu.memref_squeeze %dma_wait3A_415 : memref<1x1920xi32, #tpu.memory_space<vmem>> -> memref<1920xi32, #tpu.memory_space<vmem>>
        %dma_wait3A_417 = tpu.memref_slice %arg12[%mul3A_16] : memref<960000xi32, #tpu.memory_space<hbm>> -> memref<1920xi32, #tpu.memory_space<hbm>>
        %dma_wait3A_418 = tpu.memref_slice %arg12[%mul3A_16] : memref<960000xi32, #tpu.memory_space<hbm>> -> memref<1920xi32, #tpu.memory_space<hbm>>
        %dma_wait3A_419 = arith.constant 0 : i32
        %dma_wait3A_420 = tpu.memref_slice %arg15[%dma_wait3A_413, %dma_wait3A_419] : memref<9x1920xi32, #tpu.memory_space<vmem>> -> memref<1x1920xi32, #tpu.memory_space<vmem>>
        %dma_wait3A_421 = tpu.memref_squeeze %dma_wait3A_420 : memref<1x1920xi32, #tpu.memory_space<vmem>> -> memref<1920xi32, #tpu.memory_space<vmem>>
        tpu.wait_dma2 semaphore(%arg17 : memref<!tpu.dma_semaphore, #tpu.memory_space<semaphore_mem>>) src(%dma_wait3A_421 : memref<1920xi32, #tpu.memory_space<vmem>>) dst(%dma_wait3A_418 : memref<1920xi32, #tpu.memory_space<hbm>>)
      } else {
      }
    }
    %scan3A_4 = arith.constant 16 : i32
    return
  }
}

module attributes {stable_mosaic.version = 14 : i64} {
  func.func @_cos_body(%arg0: memref<960000xf32, #tpu.memory_space<vmem>>, %arg1: memref<960000xf32, #tpu.memory_space<vmem>>) attributes {dimension_semantics = [], scalar_prefetch = 0 : i64, scratch_operands = 0 : i64, tpu.core_type = #tpu.core_type<tc>} {
    %get3A = arith.constant 0 : index
    %get3A_0 = vector.load %arg0[%get3A] : memref<960000xf32, #tpu.memory_space<vmem>>, vector<960000xf32>
    %mul3A = arith.constant 0.318309873 : f32
    %mul3A_1 = vector.broadcast %mul3A : f32 to vector<960000xf32>
    %mul3A_2 = arith.mulf %get3A_0, %mul3A_1 : vector<960000xf32>
    %add3A = arith.constant 5.000000e-01 : f32
    %add3A_3 = vector.broadcast %add3A : f32 to vector<960000xf32>
    %add3A_4 = arith.addf %mul3A_2, %add3A_3 : vector<960000xf32>
    %convert_element_type3A = arith.fptosi %add3A_4 : vector<960000xf32> to vector<960000xi32>
    %convert_element_type3A_5 = arith.sitofp %convert_element_type3A : vector<960000xi32> to vector<960000xf32>
    %mul3A_6 = arith.constant 3.140625 : f32
    %mul3A_7 = vector.broadcast %mul3A_6 : f32 to vector<960000xf32>
    %mul3A_8 = arith.mulf %convert_element_type3A_5, %mul3A_7 : vector<960000xf32>
    %sub3A = arith.subf %get3A_0, %mul3A_8 : vector<960000xf32>
    %mul3A_9 = arith.constant 9.67653584E-4 : f32
    %mul3A_10 = vector.broadcast %mul3A_9 : f32 to vector<960000xf32>
    %mul3A_11 = arith.mulf %convert_element_type3A_5, %mul3A_10 : vector<960000xf32>
    %sub3A_12 = arith.subf %sub3A, %mul3A_11 : vector<960000xf32>
    %mul3A_13 = arith.mulf %sub3A_12, %sub3A_12 : vector<960000xf32>
    %mul3A_14 = arith.constant 2.47604949E-5 : f32
    %mul3A_15 = vector.broadcast %mul3A_14 : f32 to vector<960000xf32>
    %mul3A_16 = arith.mulf %mul3A_13, %mul3A_15 : vector<960000xf32>
    %add3A_17 = arith.constant -0.00138873165 : f32
    %add3A_18 = vector.broadcast %add3A_17 : f32 to vector<960000xf32>
    %add3A_19 = arith.addf %add3A_18, %mul3A_16 : vector<960000xf32>
    %mul3A_20 = arith.mulf %mul3A_13, %add3A_19 : vector<960000xf32>
    %add3A_21 = arith.constant 0.0416666456 : f32
    %add3A_22 = vector.broadcast %add3A_21 : f32 to vector<960000xf32>
    %add3A_23 = arith.addf %add3A_22, %mul3A_20 : vector<960000xf32>
    %mul3A_24 = arith.mulf %mul3A_13, %add3A_23 : vector<960000xf32>
    %add3A_25 = arith.constant -5.000000e-01 : f32
    %add3A_26 = vector.broadcast %add3A_25 : f32 to vector<960000xf32>
    %add3A_27 = arith.addf %add3A_26, %mul3A_24 : vector<960000xf32>
    %mul3A_28 = arith.mulf %mul3A_13, %add3A_27 : vector<960000xf32>
    %add3A_29 = arith.constant 1.000000e+00 : f32
    %add3A_30 = vector.broadcast %add3A_29 : f32 to vector<960000xf32>
    %add3A_31 = arith.addf %add3A_30, %mul3A_28 : vector<960000xf32>
    %and3A = arith.constant 1 : i32
    %and3A_32 = vector.broadcast %and3A : i32 to vector<960000xi32>
    %and3A_33 = arith.andi %convert_element_type3A, %and3A_32 : vector<960000xi32>
    %convert_element_type3A_34 = arith.sitofp %and3A_33 : vector<960000xi32> to vector<960000xf32>
    %mul3A_35 = arith.constant 2.000000e+00 : f32
    %mul3A_36 = vector.broadcast %mul3A_35 : f32 to vector<960000xf32>
    %mul3A_37 = arith.mulf %mul3A_36, %convert_element_type3A_34 : vector<960000xf32>
    %sub3A_38 = arith.constant 1.000000e+00 : f32
    %sub3A_39 = vector.broadcast %sub3A_38 : f32 to vector<960000xf32>
    %sub3A_40 = arith.subf %sub3A_39, %mul3A_37 : vector<960000xf32>
    %mul3A_41 = arith.mulf %add3A_31, %sub3A_40 : vector<960000xf32>
    %swap3A = arith.constant 0 : index
    %swap3A_42 = vector.load %arg1[%swap3A] : memref<960000xf32, #tpu.memory_space<vmem>>, vector<960000xf32>
    tpu.vector_store %arg1[%swap3A], %mul3A_41 {strides = array<i32>} : memref<960000xf32, #tpu.memory_space<vmem>>, vector<960000xf32>,
    return
  }
}

module attributes {stable_mosaic.version = 14 : i64} {
  func.func @_table_body(%arg0: i32, %arg1: memref<1600x8xf32, #tpu.memory_space<vmem>>, %arg2: memref<1x128xf32, #tpu.memory_space<vmem>>, %arg3: memref<1x128xf32, #tpu.memory_space<vmem>>, %arg4: memref<1x128xf32, #tpu.memory_space<vmem>>, %arg5: memref<1x128xf32, #tpu.memory_space<vmem>>, %arg6: memref<1600x128xi32, #tpu.memory_space<vmem>>) attributes {dimension_semantics = [#tpu.dimension_semantics<arbitrary>], iteration_bounds = array<i64: 25>, scalar_prefetch = 0 : i64, scratch_operands = 0 : i64, tpu.core_type = #tpu.core_type<tc>, window_params = [{transform_indices = @transform_0, window_bounds = array<i64: 1600, 8>}, {pipeline_mode = #tpu.pipeline_mode<synchronous>, transform_indices = @transform_1, window_bounds = array<i64: 1, 128>}, {pipeline_mode = #tpu.pipeline_mode<synchronous>, transform_indices = @transform_2, window_bounds = array<i64: 1, 128>}, {pipeline_mode = #tpu.pipeline_mode<synchronous>, transform_indices = @transform_3, window_bounds = array<i64: 1, 128>}, {pipeline_mode = #tpu.pipeline_mode<synchronous>, transform_indices = @transform_4, window_bounds = array<i64: 1, 128>}, {transform_indices = @transform_5, window_bounds = array<i64: 1600, 128>}]} {
    %get3A = arith.constant 0 : index
    %get3A_0 = arith.constant 0 : index
    %get3A_1 = vector.load %arg1[%get3A, %get3A_0] : memref<1600x8xf32, #tpu.memory_space<vmem>>, vector<1600x8xf32>
    %slice3A = vector.extract_strided_slice %get3A_1 {offsets = [0, 0], sizes = [1600, 1], strides = [1, 1]} : vector<1600x8xf32> to vector<1600x1xf32>
    %broadcast_in_dim3A = vector.shape_cast %slice3A : vector<1600x1xf32> to vector<1600x1xf32>
    %broadcast_in_dim3A_2 = vector.broadcast %broadcast_in_dim3A : vector<1600x1xf32> to vector<1600x16xf32>
    %slice3A_3 = vector.extract_strided_slice %get3A_1 {offsets = [0, 1], sizes = [1600, 1], strides = [1, 1]} : vector<1600x8xf32> to vector<1600x1xf32>
    %broadcast_in_dim3A_4 = vector.shape_cast %slice3A_3 : vector<1600x1xf32> to vector<1600x1xf32>
    %broadcast_in_dim3A_5 = vector.broadcast %broadcast_in_dim3A_4 : vector<1600x1xf32> to vector<1600x16xf32>
    %slice3A_6 = vector.extract_strided_slice %get3A_1 {offsets = [0, 2], sizes = [1600, 1], strides = [1, 1]} : vector<1600x8xf32> to vector<1600x1xf32>
    %broadcast_in_dim3A_7 = vector.shape_cast %slice3A_6 : vector<1600x1xf32> to vector<1600x1xf32>
    %broadcast_in_dim3A_8 = vector.broadcast %broadcast_in_dim3A_7 : vector<1600x1xf32> to vector<1600x16xf32>
    %slice3A_9 = vector.extract_strided_slice %get3A_1 {offsets = [0, 3], sizes = [1600, 1], strides = [1, 1]} : vector<1600x8xf32> to vector<1600x1xf32>
    %broadcast_in_dim3A_10 = vector.shape_cast %slice3A_9 : vector<1600x1xf32> to vector<1600x1xf32>
    %broadcast_in_dim3A_11 = vector.broadcast %broadcast_in_dim3A_10 : vector<1600x1xf32> to vector<1600x16xf32>
    %slice3A_12 = vector.extract_strided_slice %get3A_1 {offsets = [0, 4], sizes = [1600, 1], strides = [1, 1]} : vector<1600x8xf32> to vector<1600x1xf32>
    %broadcast_in_dim3A_13 = vector.shape_cast %slice3A_12 : vector<1600x1xf32> to vector<1600x1xf32>
    %broadcast_in_dim3A_14 = vector.broadcast %broadcast_in_dim3A_13 : vector<1600x1xf32> to vector<1600x16xf32>
    %slice3A_15 = vector.extract_strided_slice %get3A_1 {offsets = [0, 5], sizes = [1600, 1], strides = [1, 1]} : vector<1600x8xf32> to vector<1600x1xf32>
    %broadcast_in_dim3A_16 = vector.shape_cast %slice3A_15 : vector<1600x1xf32> to vector<1600x1xf32>
    %broadcast_in_dim3A_17 = vector.broadcast %broadcast_in_dim3A_16 : vector<1600x1xf32> to vector<1600x16xf32>
    %slice3A_18 = vector.extract_strided_slice %get3A_1 {offsets = [0, 6], sizes = [1600, 1], strides = [1, 1]} : vector<1600x8xf32> to vector<1600x1xf32>
    %broadcast_in_dim3A_19 = vector.shape_cast %slice3A_18 : vector<1600x1xf32> to vector<1600x1xf32>
    %broadcast_in_dim3A_20 = vector.broadcast %broadcast_in_dim3A_19 : vector<1600x1xf32> to vector<1600x16xf32>
    %slice3A_21 = vector.extract_strided_slice %get3A_1 {offsets = [0, 7], sizes = [1600, 1], strides = [1, 1]} : vector<1600x8xf32> to vector<1600x1xf32>
    %broadcast_in_dim3A_22 = vector.shape_cast %slice3A_21 : vector<1600x1xf32> to vector<1600x1xf32>
    %broadcast_in_dim3A_23 = vector.broadcast %broadcast_in_dim3A_22 : vector<1600x1xf32> to vector<1600x16xf32>
    %concatenate3A = tpu.concatenate %broadcast_in_dim3A_2, %broadcast_in_dim3A_5, %broadcast_in_dim3A_8, %broadcast_in_dim3A_11, %broadcast_in_dim3A_14, %broadcast_in_dim3A_17, %broadcast_in_dim3A_20, %broadcast_in_dim3A_23 in 1 : vector<1600x16xf32>, vector<1600x16xf32>, vector<1600x16xf32>, vector<1600x16xf32>, vector<1600x16xf32>, vector<1600x16xf32>, vector<1600x16xf32>, vector<1600x16xf32> -> vector<1600x128xf32>
    %iota3A = tpu.iota {dimensions = array<i32: 1>} : vector<1600x128xi32>
    %jit3A = arith.constant 16 : i32
    %eq3A = arith.constant 0 : i32
    %eq3A_24 = arith.cmpi eq, %jit3A, %eq3A : i32
    %jit3A_25 = arith.constant 1 : i32
    %select_n3A = arith.select %eq3A_24, %jit3A_25, %jit3A : i32
    %rem3A = vector.broadcast %select_n3A : i32 to vector<1600x128xi32>
    %rem3A_26 = arith.remsi %iota3A, %rem3A : vector<1600x128xi32>
    %ne3A = arith.constant 0 : i32
    %ne3A_27 = vector.broadcast %ne3A : i32 to vector<1600x128xi32>
    %ne3A_28 = arith.cmpi ne, %rem3A_26, %ne3A_27 : vector<1600x128xi32>
    %lt3A = arith.constant 0 : i32
    %lt3A_29 = vector.broadcast %lt3A : i32 to vector<1600x128xi32>
    %lt3A_30 = arith.cmpi slt, %rem3A_26, %lt3A_29 : vector<1600x128xi32>
    %lt3A_31 = arith.constant 0 : i32
    %lt3A_32 = arith.cmpi slt, %select_n3A, %lt3A_31 : i32
    %ne3A_33 = vector.broadcast %lt3A_32 : i1 to vector<1600x128xi1>
    %ne3A_34 = vector.broadcast %ne3A_33 : vector<1600x128xi1> to vector<1600x128xi1>
    %ne3A_35 = arith.xori %lt3A_30, %ne3A_34 : vector<1600x128xi1>
    %and3A = arith.andi %ne3A_35, %ne3A_28 : vector<1600x128xi1>
    %add3A = vector.broadcast %select_n3A : i32 to vector<1600x128xi32>
    %add3A_36 = arith.addi %rem3A_26, %add3A : vector<1600x128xi32>
    %select_n3A_37 = arith.select %and3A, %add3A_36, %rem3A_26 : vector<1600x128xi1>, vector<1600x128xi32>
    %get3A_38 = arith.constant 0 : index
    %get3A_39 = arith.constant 0 : index
    %get3A_40 = vector.load %arg2[%get3A_38, %get3A_39] : memref<1x128xf32, #tpu.memory_space<vmem>>, vector<1x128xf32>
    %mul3A = vector.broadcast %get3A_40 : vector<1x128xf32> to vector<1600x128xf32>
    %mul3A_41 = arith.mulf %concatenate3A, %mul3A : vector<1600x128xf32>
    %mul3A_42 = arith.constant 0.318309873 : f32
    %mul3A_43 = vector.broadcast %mul3A_42 : f32 to vector<1600x128xf32>
    %mul3A_44 = arith.mulf %mul3A_41, %mul3A_43 : vector<1600x128xf32>
    %add3A_45 = arith.constant 5.000000e-01 : f32
    %add3A_46 = vector.broadcast %add3A_45 : f32 to vector<1600x128xf32>
    %add3A_47 = arith.addf %mul3A_44, %add3A_46 : vector<1600x128xf32>
    %convert_element_type3A = arith.fptosi %add3A_47 : vector<1600x128xf32> to vector<1600x128xi32>
    %convert_element_type3A_48 = arith.sitofp %convert_element_type3A : vector<1600x128xi32> to vector<1600x128xf32>
    %mul3A_49 = arith.constant 3.140625 : f32
    %mul3A_50 = vector.broadcast %mul3A_49 : f32 to vector<1600x128xf32>
    %mul3A_51 = arith.mulf %convert_element_type3A_48, %mul3A_50 : vector<1600x128xf32>
    %sub3A = arith.subf %mul3A_41, %mul3A_51 : vector<1600x128xf32>
    %mul3A_52 = arith.constant 9.67653584E-4 : f32
    %mul3A_53 = vector.broadcast %mul3A_52 : f32 to vector<1600x128xf32>
    %mul3A_54 = arith.mulf %convert_element_type3A_48, %mul3A_53 : vector<1600x128xf32>
    %sub3A_55 = arith.subf %sub3A, %mul3A_54 : vector<1600x128xf32>
    %mul3A_56 = arith.mulf %sub3A_55, %sub3A_55 : vector<1600x128xf32>
    %mul3A_57 = arith.constant 2.75255616E-6 : f32
    %mul3A_58 = vector.broadcast %mul3A_57 : f32 to vector<1600x128xf32>
    %mul3A_59 = arith.mulf %mul3A_56, %mul3A_58 : vector<1600x128xf32>
    %add3A_60 = arith.constant -1.98408743E-4 : f32
    %add3A_61 = vector.broadcast %add3A_60 : f32 to vector<1600x128xf32>
    %add3A_62 = arith.addf %add3A_61, %mul3A_59 : vector<1600x128xf32>
    %mul3A_63 = arith.mulf %mul3A_56, %add3A_62 : vector<1600x128xf32>
    %add3A_64 = arith.constant 0.00833333097 : f32
    %add3A_65 = vector.broadcast %add3A_64 : f32 to vector<1600x128xf32>
    %add3A_66 = arith.addf %add3A_65, %mul3A_63 : vector<1600x128xf32>
    %mul3A_67 = arith.mulf %mul3A_56, %add3A_66 : vector<1600x128xf32>
    %add3A_68 = arith.constant -0.166666672 : f32
    %add3A_69 = vector.broadcast %add3A_68 : f32 to vector<1600x128xf32>
    %add3A_70 = arith.addf %add3A_69, %mul3A_67 : vector<1600x128xf32>
    %mul3A_71 = arith.mulf %mul3A_56, %add3A_70 : vector<1600x128xf32>
    %add3A_72 = arith.constant 1.000000e+00 : f32
    %add3A_73 = vector.broadcast %add3A_72 : f32 to vector<1600x128xf32>
    %add3A_74 = arith.addf %add3A_73, %mul3A_71 : vector<1600x128xf32>
    %mul3A_75 = arith.mulf %sub3A_55, %add3A_74 : vector<1600x128xf32>
    %mul3A_76 = arith.constant 2.47604949E-5 : f32
    %mul3A_77 = vector.broadcast %mul3A_76 : f32 to vector<1600x128xf32>
    %mul3A_78 = arith.mulf %mul3A_56, %mul3A_77 : vector<1600x128xf32>
    %add3A_79 = arith.constant -0.00138873165 : f32
    %add3A_80 = vector.broadcast %add3A_79 : f32 to vector<1600x128xf32>
    %add3A_81 = arith.addf %add3A_80, %mul3A_78 : vector<1600x128xf32>
    %mul3A_82 = arith.mulf %mul3A_56, %add3A_81 : vector<1600x128xf32>
    %add3A_83 = arith.constant 0.0416666456 : f32
    %add3A_84 = vector.broadcast %add3A_83 : f32 to vector<1600x128xf32>
    %add3A_85 = arith.addf %add3A_84, %mul3A_82 : vector<1600x128xf32>
    %mul3A_86 = arith.mulf %mul3A_56, %add3A_85 : vector<1600x128xf32>
    %add3A_87 = arith.constant -5.000000e-01 : f32
    %add3A_88 = vector.broadcast %add3A_87 : f32 to vector<1600x128xf32>
    %add3A_89 = arith.addf %add3A_88, %mul3A_86 : vector<1600x128xf32>
    %mul3A_90 = arith.mulf %mul3A_56, %add3A_89 : vector<1600x128xf32>
    %add3A_91 = arith.constant 1.000000e+00 : f32
    %add3A_92 = vector.broadcast %add3A_91 : f32 to vector<1600x128xf32>
    %add3A_93 = arith.addf %add3A_92, %mul3A_90 : vector<1600x128xf32>
    %and3A_94 = arith.constant 1 : i32
    %and3A_95 = vector.broadcast %and3A_94 : i32 to vector<1600x128xi32>
    %and3A_96 = arith.andi %convert_element_type3A, %and3A_95 : vector<1600x128xi32>
    %convert_element_type3A_97 = arith.sitofp %and3A_96 : vector<1600x128xi32> to vector<1600x128xf32>
    %mul3A_98 = arith.constant 2.000000e+00 : f32
    %mul3A_99 = vector.broadcast %mul3A_98 : f32 to vector<1600x128xf32>
    %mul3A_100 = arith.mulf %mul3A_99, %convert_element_type3A_97 : vector<1600x128xf32>
    %sub3A_101 = arith.constant 1.000000e+00 : f32
    %sub3A_102 = vector.broadcast %sub3A_101 : f32 to vector<1600x128xf32>
    %sub3A_103 = arith.subf %sub3A_102, %mul3A_100 : vector<1600x128xf32>
    %mul3A_104 = arith.mulf %mul3A_75, %sub3A_103 : vector<1600x128xf32>
    %mul3A_105 = arith.mulf %add3A_93, %sub3A_103 : vector<1600x128xf32>
    %div3A = arith.constant 1.000000e+00 : f32
    %div3A_106 = vector.broadcast %div3A : f32 to vector<1600x128xf32>
    %div3A_107 = arith.divf %div3A_106, %mul3A_41 : vector<1600x128xf32>
    %mul3A_108 = arith.mulf %mul3A_104, %div3A_107 : vector<1600x128xf32>
    %mul3A_109 = arith.mulf %mul3A_104, %div3A_107 : vector<1600x128xf32>
    %sub3A_110 = arith.subf %mul3A_109, %mul3A_105 : vector<1600x128xf32>
    %mul3A_111 = arith.mulf %sub3A_110, %div3A_107 : vector<1600x128xf32>
    %lt3A_112 = arith.constant 6 : i32
    %lt3A_113 = vector.broadcast %lt3A_112 : i32 to vector<1600x128xi32>
    %lt3A_114 = arith.cmpi slt, %select_n3A_37, %lt3A_113 : vector<1600x128xi32>
    %select_n3A_115 = arith.select %lt3A_114, %mul3A_108, %mul3A_111 : vector<1600x128xi1>, vector<1600x128xf32>
    %get3A_116 = arith.constant 0 : index
    %get3A_117 = arith.constant 0 : index
    %get3A_118 = vector.load %arg4[%get3A_116, %get3A_117] : memref<1x128xf32, #tpu.memory_space<vmem>>, vector<1x128xf32>
    %mul3A_119 = vector.broadcast %get3A_118 : vector<1x128xf32> to vector<1600x128xf32>
    %mul3A_120 = arith.mulf %select_n3A_115, %mul3A_119 : vector<1600x128xf32>
    %get3A_121 = arith.constant 0 : index
    %get3A_122 = arith.constant 0 : index
    %get3A_123 = vector.load %arg3[%get3A_121, %get3A_122] : memref<1x128xf32, #tpu.memory_space<vmem>>, vector<1x128xf32>
    %mul3A_124 = vector.broadcast %get3A_123 : vector<1x128xf32> to vector<1600x128xf32>
    %mul3A_125 = arith.mulf %concatenate3A, %mul3A_124 : vector<1600x128xf32>
    %mul3A_126 = arith.constant 0.318309873 : f32
    %mul3A_127 = vector.broadcast %mul3A_126 : f32 to vector<1600x128xf32>
    %mul3A_128 = arith.mulf %mul3A_125, %mul3A_127 : vector<1600x128xf32>
    %add3A_129 = arith.constant 5.000000e-01 : f32
    %add3A_130 = vector.broadcast %add3A_129 : f32 to vector<1600x128xf32>
    %add3A_131 = arith.addf %mul3A_128, %add3A_130 : vector<1600x128xf32>
    %convert_element_type3A_132 = arith.fptosi %add3A_131 : vector<1600x128xf32> to vector<1600x128xi32>
    %convert_element_type3A_133 = arith.sitofp %convert_element_type3A_132 : vector<1600x128xi32> to vector<1600x128xf32>
    %mul3A_134 = arith.constant 3.140625 : f32
    %mul3A_135 = vector.broadcast %mul3A_134 : f32 to vector<1600x128xf32>
    %mul3A_136 = arith.mulf %convert_element_type3A_133, %mul3A_135 : vector<1600x128xf32>
    %sub3A_137 = arith.subf %mul3A_125, %mul3A_136 : vector<1600x128xf32>
    %mul3A_138 = arith.constant 9.67653584E-4 : f32
    %mul3A_139 = vector.broadcast %mul3A_138 : f32 to vector<1600x128xf32>
    %mul3A_140 = arith.mulf %convert_element_type3A_133, %mul3A_139 : vector<1600x128xf32>
    %sub3A_141 = arith.subf %sub3A_137, %mul3A_140 : vector<1600x128xf32>
    %mul3A_142 = arith.mulf %sub3A_141, %sub3A_141 : vector<1600x128xf32>
    %mul3A_143 = arith.constant 2.75255616E-6 : f32
    %mul3A_144 = vector.broadcast %mul3A_143 : f32 to vector<1600x128xf32>
    %mul3A_145 = arith.mulf %mul3A_142, %mul3A_144 : vector<1600x128xf32>
    %add3A_146 = arith.constant -1.98408743E-4 : f32
    %add3A_147 = vector.broadcast %add3A_146 : f32 to vector<1600x128xf32>
    %add3A_148 = arith.addf %add3A_147, %mul3A_145 : vector<1600x128xf32>
    %mul3A_149 = arith.mulf %mul3A_142, %add3A_148 : vector<1600x128xf32>
    %add3A_150 = arith.constant 0.00833333097 : f32
    %add3A_151 = vector.broadcast %add3A_150 : f32 to vector<1600x128xf32>
    %add3A_152 = arith.addf %add3A_151, %mul3A_149 : vector<1600x128xf32>
    %mul3A_153 = arith.mulf %mul3A_142, %add3A_152 : vector<1600x128xf32>
    %add3A_154 = arith.constant -0.166666672 : f32
    %add3A_155 = vector.broadcast %add3A_154 : f32 to vector<1600x128xf32>
    %add3A_156 = arith.addf %add3A_155, %mul3A_153 : vector<1600x128xf32>
    %mul3A_157 = arith.mulf %mul3A_142, %add3A_156 : vector<1600x128xf32>
    %add3A_158 = arith.constant 1.000000e+00 : f32
    %add3A_159 = vector.broadcast %add3A_158 : f32 to vector<1600x128xf32>
    %add3A_160 = arith.addf %add3A_159, %mul3A_157 : vector<1600x128xf32>
    %mul3A_161 = arith.mulf %sub3A_141, %add3A_160 : vector<1600x128xf32>
    %mul3A_162 = arith.constant 2.47604949E-5 : f32
    %mul3A_163 = vector.broadcast %mul3A_162 : f32 to vector<1600x128xf32>
    %mul3A_164 = arith.mulf %mul3A_142, %mul3A_163 : vector<1600x128xf32>
    %add3A_165 = arith.constant -0.00138873165 : f32
    %add3A_166 = vector.broadcast %add3A_165 : f32 to vector<1600x128xf32>
    %add3A_167 = arith.addf %add3A_166, %mul3A_164 : vector<1600x128xf32>
    %mul3A_168 = arith.mulf %mul3A_142, %add3A_167 : vector<1600x128xf32>
    %add3A_169 = arith.constant 0.0416666456 : f32
    %add3A_170 = vector.broadcast %add3A_169 : f32 to vector<1600x128xf32>
    %add3A_171 = arith.addf %add3A_170, %mul3A_168 : vector<1600x128xf32>
    %mul3A_172 = arith.mulf %mul3A_142, %add3A_171 : vector<1600x128xf32>
    %add3A_173 = arith.constant -5.000000e-01 : f32
    %add3A_174 = vector.broadcast %add3A_173 : f32 to vector<1600x128xf32>
    %add3A_175 = arith.addf %add3A_174, %mul3A_172 : vector<1600x128xf32>
    %mul3A_176 = arith.mulf %mul3A_142, %add3A_175 : vector<1600x128xf32>
    %add3A_177 = arith.constant 1.000000e+00 : f32
    %add3A_178 = vector.broadcast %add3A_177 : f32 to vector<1600x128xf32>
    %add3A_179 = arith.addf %add3A_178, %mul3A_176 : vector<1600x128xf32>
    %and3A_180 = arith.constant 1 : i32
    %and3A_181 = vector.broadcast %and3A_180 : i32 to vector<1600x128xi32>
    %and3A_182 = arith.andi %convert_element_type3A_132, %and3A_181 : vector<1600x128xi32>
    %convert_element_type3A_183 = arith.sitofp %and3A_182 : vector<1600x128xi32> to vector<1600x128xf32>
    %mul3A_184 = arith.constant 2.000000e+00 : f32
    %mul3A_185 = vector.broadcast %mul3A_184 : f32 to vector<1600x128xf32>
    %mul3A_186 = arith.mulf %mul3A_185, %convert_element_type3A_183 : vector<1600x128xf32>
    %sub3A_187 = arith.constant 1.000000e+00 : f32
    %sub3A_188 = vector.broadcast %sub3A_187 : f32 to vector<1600x128xf32>
    %sub3A_189 = arith.subf %sub3A_188, %mul3A_186 : vector<1600x128xf32>
    %mul3A_190 = arith.mulf %mul3A_161, %sub3A_189 : vector<1600x128xf32>
    %mul3A_191 = arith.mulf %add3A_179, %sub3A_189 : vector<1600x128xf32>
    %div3A_192 = arith.constant 1.000000e+00 : f32
    %div3A_193 = vector.broadcast %div3A_192 : f32 to vector<1600x128xf32>
    %div3A_194 = arith.divf %div3A_193, %mul3A_125 : vector<1600x128xf32>
    %mul3A_195 = arith.mulf %mul3A_190, %div3A_194 : vector<1600x128xf32>
    %sub3A_196 = arith.subf %mul3A_195, %mul3A_191 : vector<1600x128xf32>
    %mul3A_197 = arith.mulf %sub3A_196, %div3A_194 : vector<1600x128xf32>
    %mul3A_198 = arith.constant 3.000000e+00 : f32
    %mul3A_199 = vector.broadcast %mul3A_198 : f32 to vector<1600x128xf32>
    %mul3A_200 = arith.mulf %mul3A_199, %div3A_194 : vector<1600x128xf32>
    %mul3A_201 = arith.mulf %mul3A_200, %div3A_194 : vector<1600x128xf32>
    %sub3A_202 = arith.constant 1.000000e+00 : f32
    %sub3A_203 = vector.broadcast %sub3A_202 : f32 to vector<1600x128xf32>
    %sub3A_204 = arith.subf %mul3A_201, %sub3A_203 : vector<1600x128xf32>
    %mul3A_205 = arith.mulf %mul3A_190, %sub3A_204 : vector<1600x128xf32>
    %mul3A_206 = arith.constant 3.000000e+00 : f32
    %mul3A_207 = vector.broadcast %mul3A_206 : f32 to vector<1600x128xf32>
    %mul3A_208 = arith.mulf %mul3A_207, %mul3A_191 : vector<1600x128xf32>
    %mul3A_209 = arith.mulf %mul3A_208, %div3A_194 : vector<1600x128xf32>
    %sub3A_210 = arith.subf %mul3A_205, %mul3A_209 : vector<1600x128xf32>
    %mul3A_211 = arith.mulf %sub3A_210, %div3A_194 : vector<1600x128xf32>
    %lt3A_212 = arith.constant 3 : i32
    %lt3A_213 = vector.broadcast %lt3A_212 : i32 to vector<1600x128xi32>
    %lt3A_214 = arith.cmpi slt, %select_n3A_37, %lt3A_213 : vector<1600x128xi32>
    %select_n3A_215 = arith.select %lt3A_214, %mul3A_197, %mul3A_211 : vector<1600x128xi1>, vector<1600x128xf32>
    %get3A_216 = arith.constant 0 : index
    %get3A_217 = arith.constant 0 : index
    %get3A_218 = vector.load %arg5[%get3A_216, %get3A_217] : memref<1x128xf32, #tpu.memory_space<vmem>>, vector<1x128xf32>
    %mul3A_219 = vector.broadcast %get3A_218 : vector<1x128xf32> to vector<1600x128xf32>
    %mul3A_220 = arith.mulf %select_n3A_215, %mul3A_219 : vector<1600x128xf32>
    %bitcast_convert_type3A = tpu.bitcast %mul3A_120 : vector<1600x128xf32> -> vector<1600x128xi32>
    %add3A_221 = arith.constant 32767 : i32
    %add3A_222 = vector.broadcast %add3A_221 : i32 to vector<1600x128xi32>
    %add3A_223 = arith.addi %bitcast_convert_type3A, %add3A_222 : vector<1600x128xi32>
    %shift_right_arithmetic3A = arith.constant 16 : i32
    %shift_right_arithmetic3A_224 = vector.broadcast %shift_right_arithmetic3A : i32 to vector<1600x128xi32>
    %shift_right_arithmetic3A_225 = arith.shrsi %bitcast_convert_type3A, %shift_right_arithmetic3A_224 : vector<1600x128xi32>
    %and3A_226 = arith.constant 1 : i32
    %and3A_227 = vector.broadcast %and3A_226 : i32 to vector<1600x128xi32>
    %and3A_228 = arith.andi %shift_right_arithmetic3A_225, %and3A_227 : vector<1600x128xi32>
    %add3A_229 = arith.addi %add3A_223, %and3A_228 : vector<1600x128xi32>
    %shift_right_arithmetic3A_230 = arith.constant 16 : i32
    %shift_right_arithmetic3A_231 = vector.broadcast %shift_right_arithmetic3A_230 : i32 to vector<1600x128xi32>
    %shift_right_arithmetic3A_232 = arith.shrsi %add3A_229, %shift_right_arithmetic3A_231 : vector<1600x128xi32>
    %and3A_233 = arith.constant 65535 : i32
    %and3A_234 = vector.broadcast %and3A_233 : i32 to vector<1600x128xi32>
    %and3A_235 = arith.andi %shift_right_arithmetic3A_232, %and3A_234 : vector<1600x128xi32>
    %bitcast_convert_type3A_236 = tpu.bitcast %mul3A_220 : vector<1600x128xf32> -> vector<1600x128xi32>
    %add3A_237 = arith.constant 32767 : i32
    %add3A_238 = vector.broadcast %add3A_237 : i32 to vector<1600x128xi32>
    %add3A_239 = arith.addi %bitcast_convert_type3A_236, %add3A_238 : vector<1600x128xi32>
    %shift_right_arithmetic3A_240 = arith.constant 16 : i32
    %shift_right_arithmetic3A_241 = vector.broadcast %shift_right_arithmetic3A_240 : i32 to vector<1600x128xi32>
    %shift_right_arithmetic3A_242 = arith.shrsi %bitcast_convert_type3A_236, %shift_right_arithmetic3A_241 : vector<1600x128xi32>
    %and3A_243 = arith.constant 1 : i32
    %and3A_244 = vector.broadcast %and3A_243 : i32 to vector<1600x128xi32>
    %and3A_245 = arith.andi %shift_right_arithmetic3A_242, %and3A_244 : vector<1600x128xi32>
    %add3A_246 = arith.addi %add3A_239, %and3A_245 : vector<1600x128xi32>
    %and3A_247 = arith.constant -65536 : i32
    %and3A_248 = vector.broadcast %and3A_247 : i32 to vector<1600x128xi32>
    %and3A_249 = arith.andi %add3A_246, %and3A_248 : vector<1600x128xi32>
    %or3A = arith.ori %and3A_235, %and3A_249 : vector<1600x128xi32>
    %swap3A = arith.constant 0 : index
    %swap3A_250 = arith.constant 0 : index
    %swap3A_251 = vector.load %arg6[%swap3A, %swap3A_250] : memref<1600x128xi32, #tpu.memory_space<vmem>>, vector<1600x128xi32>
    tpu.vector_store %arg6[%swap3A, %swap3A_250], %or3A {strides = array<i32>} : memref<1600x128xi32, #tpu.memory_space<vmem>>, vector<1600x128xi32>,
    return
  }
  func.func @transform_0(%arg0: i32) -> (i32, i32) {
    %c0_i32 = arith.constant 0 : i32
    %c0_i32_0 = arith.constant 0 : i32
    return %arg0, %c0_i32 : i32, i32
  }
  func.func @transform_1(%arg0: i32) -> (i32, i32) {
    %c0_i32 = arith.constant 0 : i32
    %c0_i32_0 = arith.constant 0 : i32
    %c0_i32_1 = arith.constant 0 : i32
    return %c0_i32, %c0_i32_0 : i32, i32
  }
  func.func @transform_2(%arg0: i32) -> (i32, i32) {
    %c0_i32 = arith.constant 0 : i32
    %c0_i32_0 = arith.constant 0 : i32
    %c0_i32_1 = arith.constant 0 : i32
    return %c0_i32, %c0_i32_0 : i32, i32
  }
  func.func @transform_3(%arg0: i32) -> (i32, i32) {
    %c0_i32 = arith.constant 0 : i32
    %c0_i32_0 = arith.constant 0 : i32
    %c0_i32_1 = arith.constant 0 : i32
    return %c0_i32, %c0_i32_0 : i32, i32
  }
  func.func @transform_4(%arg0: i32) -> (i32, i32) {
    %c0_i32 = arith.constant 0 : i32
    %c0_i32_0 = arith.constant 0 : i32
    %c0_i32_1 = arith.constant 0 : i32
    return %c0_i32, %c0_i32_0 : i32, i32
  }
  func.func @transform_5(%arg0: i32) -> (i32, i32) {
    %c0_i32 = arith.constant 0 : i32
    %c0_i32_0 = arith.constant 0 : i32
    return %arg0, %c0_i32 : i32, i32
  }
}

module attributes {stable_mosaic.version = 14 : i64} {
  func.func @_mul_body(%arg0: i32, %arg1: memref<1x48000xi32, #tpu.memory_space<vmem>>, %arg2: memref<1x48000xi32, #tpu.memory_space<vmem>>, %arg3: memref<1x48000xi32, #tpu.memory_space<vmem>>, %arg4: memref<1x48000xi32, #tpu.memory_space<vmem>>, %arg5: memref<1x48000xi32, #tpu.memory_space<vmem>>, %arg6: memref<1x48000xi32, #tpu.memory_space<vmem>>, %arg7: memref<1x48000xi32, #tpu.memory_space<vmem>>, %arg8: memref<1x48000xi32, #tpu.memory_space<vmem>>, %arg9: memref<1x48000xi32, #tpu.memory_space<vmem>>, %arg10: memref<1x48000xf32, #tpu.memory_space<vmem>>, %arg11: memref<18x48000xf32, #tpu.memory_space<vmem>>) attributes {dimension_semantics = [#tpu.dimension_semantics<arbitrary>], iteration_bounds = array<i64: 20>, scalar_prefetch = 0 : i64, scratch_operands = 0 : i64, tpu.core_type = #tpu.core_type<tc>, window_params = [{transform_indices = @transform_0, window_bounds = array<i64: 1, 48000>}, {transform_indices = @transform_1, window_bounds = array<i64: 1, 48000>}, {transform_indices = @transform_2, window_bounds = array<i64: 1, 48000>}, {transform_indices = @transform_3, window_bounds = array<i64: 1, 48000>}, {transform_indices = @transform_4, window_bounds = array<i64: 1, 48000>}, {transform_indices = @transform_5, window_bounds = array<i64: 1, 48000>}, {transform_indices = @transform_6, window_bounds = array<i64: 1, 48000>}, {transform_indices = @transform_7, window_bounds = array<i64: 1, 48000>}, {transform_indices = @transform_8, window_bounds = array<i64: 1, 48000>}, {transform_indices = @transform_9, window_bounds = array<i64: 1, 48000>}, {transform_indices = @transform_10, window_bounds = array<i64: 18, 48000>}]} {
    %get3A = arith.constant 0 : index
    %get3A_0 = arith.constant 0 : index
    %get3A_1 = vector.load %arg10[%get3A, %get3A_0] : memref<1x48000xf32, #tpu.memory_space<vmem>>, vector<1x48000xf32>
    %mul3A = arith.constant 0.488602519 : f32
    %mul3A_2 = vector.broadcast %mul3A : f32 to vector<1x48000xf32>
    %mul3A_3 = arith.mulf %get3A_1, %mul3A_2 : vector<1x48000xf32>
    %mul3A_4 = arith.mulf %get3A_1, %get3A_1 : vector<1x48000xf32>
    %mul3A_5 = arith.constant 0.946174681 : f32
    %mul3A_6 = vector.broadcast %mul3A_5 : f32 to vector<1x48000xf32>
    %mul3A_7 = arith.mulf %mul3A_4, %mul3A_6 : vector<1x48000xf32>
    %sub3A = arith.constant 0.31539157 : f32
    %sub3A_8 = vector.broadcast %sub3A : f32 to vector<1x48000xf32>
    %sub3A_9 = arith.subf %mul3A_7, %sub3A_8 : vector<1x48000xf32>
    %get3A_10 = arith.constant 0 : index
    %get3A_11 = arith.constant 0 : index
    %get3A_12 = vector.load %arg1[%get3A_10, %get3A_11] : memref<1x48000xi32, #tpu.memory_space<vmem>>, vector<1x48000xi32>
    %shift_left3A = arith.constant 16 : i32
    %shift_left3A_13 = vector.broadcast %shift_left3A : i32 to vector<1x48000xi32>
    %shift_left3A_14 = arith.shli %get3A_12, %shift_left3A_13 : vector<1x48000xi32>
    %bitcast_convert_type3A = tpu.bitcast %shift_left3A_14 : vector<1x48000xi32> -> vector<1x48000xf32>
    %and3A = arith.constant -65536 : i32
    %and3A_15 = vector.broadcast %and3A : i32 to vector<1x48000xi32>
    %and3A_16 = arith.andi %get3A_12, %and3A_15 : vector<1x48000xi32>
    %bitcast_convert_type3A_17 = tpu.bitcast %and3A_16 : vector<1x48000xi32> -> vector<1x48000xf32>
    %mul3A_18 = arith.mulf %bitcast_convert_type3A_17, %mul3A_3 : vector<1x48000xf32>
    %swap3A = arith.constant 0 : index
    %swap3A_19 = arith.constant 0 : index
    %swap3A_20 = vector.load %arg11[%swap3A, %swap3A_19] : memref<18x48000xf32, #tpu.memory_space<vmem>>, vector<1x48000xf32>
    tpu.vector_store %arg11[%swap3A, %swap3A_19], %bitcast_convert_type3A {strides = array<i32>} : memref<18x48000xf32, #tpu.memory_space<vmem>>, vector<1x48000xf32>,
    %swap3A_21 = arith.constant 9 : index
    %swap3A_22 = arith.constant 0 : index
    %swap3A_23 = vector.load %arg11[%swap3A_21, %swap3A_22] : memref<18x48000xf32, #tpu.memory_space<vmem>>, vector<1x48000xf32>
    tpu.vector_store %arg11[%swap3A_21, %swap3A_22], %mul3A_18 {strides = array<i32>} : memref<18x48000xf32, #tpu.memory_space<vmem>>, vector<1x48000xf32>,
    %get3A_24 = arith.constant 0 : index
    %get3A_25 = arith.constant 0 : index
    %get3A_26 = vector.load %arg2[%get3A_24, %get3A_25] : memref<1x48000xi32, #tpu.memory_space<vmem>>, vector<1x48000xi32>
    %shift_left3A_27 = arith.constant 16 : i32
    %shift_left3A_28 = vector.broadcast %shift_left3A_27 : i32 to vector<1x48000xi32>
    %shift_left3A_29 = arith.shli %get3A_26, %shift_left3A_28 : vector<1x48000xi32>
    %bitcast_convert_type3A_30 = tpu.bitcast %shift_left3A_29 : vector<1x48000xi32> -> vector<1x48000xf32>
    %and3A_31 = arith.constant -65536 : i32
    %and3A_32 = vector.broadcast %and3A_31 : i32 to vector<1x48000xi32>
    %and3A_33 = arith.andi %get3A_26, %and3A_32 : vector<1x48000xi32>
    %bitcast_convert_type3A_34 = tpu.bitcast %and3A_33 : vector<1x48000xi32> -> vector<1x48000xf32>
    %mul3A_35 = arith.mulf %bitcast_convert_type3A_34, %mul3A_3 : vector<1x48000xf32>
    %swap3A_36 = arith.constant 1 : index
    %swap3A_37 = arith.constant 0 : index
    %swap3A_38 = vector.load %arg11[%swap3A_36, %swap3A_37] : memref<18x48000xf32, #tpu.memory_space<vmem>>, vector<1x48000xf32>
    tpu.vector_store %arg11[%swap3A_36, %swap3A_37], %bitcast_convert_type3A_30 {strides = array<i32>} : memref<18x48000xf32, #tpu.memory_space<vmem>>, vector<1x48000xf32>,
    %swap3A_39 = arith.constant 10 : index
    %swap3A_40 = arith.constant 0 : index
    %swap3A_41 = vector.load %arg11[%swap3A_39, %swap3A_40] : memref<18x48000xf32, #tpu.memory_space<vmem>>, vector<1x48000xf32>
    tpu.vector_store %arg11[%swap3A_39, %swap3A_40], %mul3A_35 {strides = array<i32>} : memref<18x48000xf32, #tpu.memory_space<vmem>>, vector<1x48000xf32>,
    %get3A_42 = arith.constant 0 : index
    %get3A_43 = arith.constant 0 : index
    %get3A_44 = vector.load %arg3[%get3A_42, %get3A_43] : memref<1x48000xi32, #tpu.memory_space<vmem>>, vector<1x48000xi32>
    %shift_left3A_45 = arith.constant 16 : i32
    %shift_left3A_46 = vector.broadcast %shift_left3A_45 : i32 to vector<1x48000xi32>
    %shift_left3A_47 = arith.shli %get3A_44, %shift_left3A_46 : vector<1x48000xi32>
    %bitcast_convert_type3A_48 = tpu.bitcast %shift_left3A_47 : vector<1x48000xi32> -> vector<1x48000xf32>
    %and3A_49 = arith.constant -65536 : i32
    %and3A_50 = vector.broadcast %and3A_49 : i32 to vector<1x48000xi32>
    %and3A_51 = arith.andi %get3A_44, %and3A_50 : vector<1x48000xi32>
    %bitcast_convert_type3A_52 = tpu.bitcast %and3A_51 : vector<1x48000xi32> -> vector<1x48000xf32>
    %mul3A_53 = arith.mulf %bitcast_convert_type3A_52, %mul3A_3 : vector<1x48000xf32>
    %swap3A_54 = arith.constant 2 : index
    %swap3A_55 = arith.constant 0 : index
    %swap3A_56 = vector.load %arg11[%swap3A_54, %swap3A_55] : memref<18x48000xf32, #tpu.memory_space<vmem>>, vector<1x48000xf32>
    tpu.vector_store %arg11[%swap3A_54, %swap3A_55], %bitcast_convert_type3A_48 {strides = array<i32>} : memref<18x48000xf32, #tpu.memory_space<vmem>>, vector<1x48000xf32>,
    %swap3A_57 = arith.constant 11 : index
    %swap3A_58 = arith.constant 0 : index
    %swap3A_59 = vector.load %arg11[%swap3A_57, %swap3A_58] : memref<18x48000xf32, #tpu.memory_space<vmem>>, vector<1x48000xf32>
    tpu.vector_store %arg11[%swap3A_57, %swap3A_58], %mul3A_53 {strides = array<i32>} : memref<18x48000xf32, #tpu.memory_space<vmem>>, vector<1x48000xf32>,
    %get3A_60 = arith.constant 0 : index
    %get3A_61 = arith.constant 0 : index
    %get3A_62 = vector.load %arg4[%get3A_60, %get3A_61] : memref<1x48000xi32, #tpu.memory_space<vmem>>, vector<1x48000xi32>
    %shift_left3A_63 = arith.constant 16 : i32
    %shift_left3A_64 = vector.broadcast %shift_left3A_63 : i32 to vector<1x48000xi32>
    %shift_left3A_65 = arith.shli %get3A_62, %shift_left3A_64 : vector<1x48000xi32>
    %bitcast_convert_type3A_66 = tpu.bitcast %shift_left3A_65 : vector<1x48000xi32> -> vector<1x48000xf32>
    %and3A_67 = arith.constant -65536 : i32
    %and3A_68 = vector.broadcast %and3A_67 : i32 to vector<1x48000xi32>
    %and3A_69 = arith.andi %get3A_62, %and3A_68 : vector<1x48000xi32>
    %bitcast_convert_type3A_70 = tpu.bitcast %and3A_69 : vector<1x48000xi32> -> vector<1x48000xf32>
    %mul3A_71 = arith.mulf %bitcast_convert_type3A_70, %sub3A_9 : vector<1x48000xf32>
    %swap3A_72 = arith.constant 3 : index
    %swap3A_73 = arith.constant 0 : index
    %swap3A_74 = vector.load %arg11[%swap3A_72, %swap3A_73] : memref<18x48000xf32, #tpu.memory_space<vmem>>, vector<1x48000xf32>
    tpu.vector_store %arg11[%swap3A_72, %swap3A_73], %bitcast_convert_type3A_66 {strides = array<i32>} : memref<18x48000xf32, #tpu.memory_space<vmem>>, vector<1x48000xf32>,
    %swap3A_75 = arith.constant 12 : index
    %swap3A_76 = arith.constant 0 : index
    %swap3A_77 = vector.load %arg11[%swap3A_75, %swap3A_76] : memref<18x48000xf32, #tpu.memory_space<vmem>>, vector<1x48000xf32>
    tpu.vector_store %arg11[%swap3A_75, %swap3A_76], %mul3A_71 {strides = array<i32>} : memref<18x48000xf32, #tpu.memory_space<vmem>>, vector<1x48000xf32>,
    %get3A_78 = arith.constant 0 : index
    %get3A_79 = arith.constant 0 : index
    %get3A_80 = vector.load %arg5[%get3A_78, %get3A_79] : memref<1x48000xi32, #tpu.memory_space<vmem>>, vector<1x48000xi32>
    %shift_left3A_81 = arith.constant 16 : i32
    %shift_left3A_82 = vector.broadcast %shift_left3A_81 : i32 to vector<1x48000xi32>
    %shift_left3A_83 = arith.shli %get3A_80, %shift_left3A_82 : vector<1x48000xi32>
    %bitcast_convert_type3A_84 = tpu.bitcast %shift_left3A_83 : vector<1x48000xi32> -> vector<1x48000xf32>
    %and3A_85 = arith.constant -65536 : i32
    %and3A_86 = vector.broadcast %and3A_85 : i32 to vector<1x48000xi32>
    %and3A_87 = arith.andi %get3A_80, %and3A_86 : vector<1x48000xi32>
    %bitcast_convert_type3A_88 = tpu.bitcast %and3A_87 : vector<1x48000xi32> -> vector<1x48000xf32>
    %mul3A_89 = arith.mulf %bitcast_convert_type3A_88, %sub3A_9 : vector<1x48000xf32>
    %swap3A_90 = arith.constant 4 : index
    %swap3A_91 = arith.constant 0 : index
    %swap3A_92 = vector.load %arg11[%swap3A_90, %swap3A_91] : memref<18x48000xf32, #tpu.memory_space<vmem>>, vector<1x48000xf32>
    tpu.vector_store %arg11[%swap3A_90, %swap3A_91], %bitcast_convert_type3A_84 {strides = array<i32>} : memref<18x48000xf32, #tpu.memory_space<vmem>>, vector<1x48000xf32>,
    %swap3A_93 = arith.constant 13 : index
    %swap3A_94 = arith.constant 0 : index
    %swap3A_95 = vector.load %arg11[%swap3A_93, %swap3A_94] : memref<18x48000xf32, #tpu.memory_space<vmem>>, vector<1x48000xf32>
    tpu.vector_store %arg11[%swap3A_93, %swap3A_94], %mul3A_89 {strides = array<i32>} : memref<18x48000xf32, #tpu.memory_space<vmem>>, vector<1x48000xf32>,
    %get3A_96 = arith.constant 0 : index
    %get3A_97 = arith.constant 0 : index
    %get3A_98 = vector.load %arg6[%get3A_96, %get3A_97] : memref<1x48000xi32, #tpu.memory_space<vmem>>, vector<1x48000xi32>
    %shift_left3A_99 = arith.constant 16 : i32
    %shift_left3A_100 = vector.broadcast %shift_left3A_99 : i32 to vector<1x48000xi32>
    %shift_left3A_101 = arith.shli %get3A_98, %shift_left3A_100 : vector<1x48000xi32>
    %bitcast_convert_type3A_102 = tpu.bitcast %shift_left3A_101 : vector<1x48000xi32> -> vector<1x48000xf32>
    %and3A_103 = arith.constant -65536 : i32
    %and3A_104 = vector.broadcast %and3A_103 : i32 to vector<1x48000xi32>
    %and3A_105 = arith.andi %get3A_98, %and3A_104 : vector<1x48000xi32>
    %bitcast_convert_type3A_106 = tpu.bitcast %and3A_105 : vector<1x48000xi32> -> vector<1x48000xf32>
    %mul3A_107 = arith.mulf %bitcast_convert_type3A_106, %sub3A_9 : vector<1x48000xf32>
    %swap3A_108 = arith.constant 5 : index
    %swap3A_109 = arith.constant 0 : index
    %swap3A_110 = vector.load %arg11[%swap3A_108, %swap3A_109] : memref<18x48000xf32, #tpu.memory_space<vmem>>, vector<1x48000xf32>
    tpu.vector_store %arg11[%swap3A_108, %swap3A_109], %bitcast_convert_type3A_102 {strides = array<i32>} : memref<18x48000xf32, #tpu.memory_space<vmem>>, vector<1x48000xf32>,
    %swap3A_111 = arith.constant 14 : index
    %swap3A_112 = arith.constant 0 : index
    %swap3A_113 = vector.load %arg11[%swap3A_111, %swap3A_112] : memref<18x48000xf32, #tpu.memory_space<vmem>>, vector<1x48000xf32>
    tpu.vector_store %arg11[%swap3A_111, %swap3A_112], %mul3A_107 {strides = array<i32>} : memref<18x48000xf32, #tpu.memory_space<vmem>>, vector<1x48000xf32>,
    %get3A_114 = arith.constant 0 : index
    %get3A_115 = arith.constant 0 : index
    %get3A_116 = vector.load %arg7[%get3A_114, %get3A_115] : memref<1x48000xi32, #tpu.memory_space<vmem>>, vector<1x48000xi32>
    %shift_left3A_117 = arith.constant 16 : i32
    %shift_left3A_118 = vector.broadcast %shift_left3A_117 : i32 to vector<1x48000xi32>
    %shift_left3A_119 = arith.shli %get3A_116, %shift_left3A_118 : vector<1x48000xi32>
    %bitcast_convert_type3A_120 = tpu.bitcast %shift_left3A_119 : vector<1x48000xi32> -> vector<1x48000xf32>
    %and3A_121 = arith.constant -65536 : i32
    %and3A_122 = vector.broadcast %and3A_121 : i32 to vector<1x48000xi32>
    %and3A_123 = arith.andi %get3A_116, %and3A_122 : vector<1x48000xi32>
    %bitcast_convert_type3A_124 = tpu.bitcast %and3A_123 : vector<1x48000xi32> -> vector<1x48000xf32>
    %mul3A_125 = arith.mulf %bitcast_convert_type3A_120, %mul3A_3 : vector<1x48000xf32>
    %mul3A_126 = arith.mulf %bitcast_convert_type3A_124, %sub3A_9 : vector<1x48000xf32>
    %swap3A_127 = arith.constant 6 : index
    %swap3A_128 = arith.constant 0 : index
    %swap3A_129 = vector.load %arg11[%swap3A_127, %swap3A_128] : memref<18x48000xf32, #tpu.memory_space<vmem>>, vector<1x48000xf32>
    tpu.vector_store %arg11[%swap3A_127, %swap3A_128], %mul3A_125 {strides = array<i32>} : memref<18x48000xf32, #tpu.memory_space<vmem>>, vector<1x48000xf32>,
    %swap3A_130 = arith.constant 15 : index
    %swap3A_131 = arith.constant 0 : index
    %swap3A_132 = vector.load %arg11[%swap3A_130, %swap3A_131] : memref<18x48000xf32, #tpu.memory_space<vmem>>, vector<1x48000xf32>
    tpu.vector_store %arg11[%swap3A_130, %swap3A_131], %mul3A_126 {strides = array<i32>} : memref<18x48000xf32, #tpu.memory_space<vmem>>, vector<1x48000xf32>,
    %get3A_133 = arith.constant 0 : index
    %get3A_134 = arith.constant 0 : index
    %get3A_135 = vector.load %arg8[%get3A_133, %get3A_134] : memref<1x48000xi32, #tpu.memory_space<vmem>>, vector<1x48000xi32>
    %shift_left3A_136 = arith.constant 16 : i32
    %shift_left3A_137 = vector.broadcast %shift_left3A_136 : i32 to vector<1x48000xi32>
    %shift_left3A_138 = arith.shli %get3A_135, %shift_left3A_137 : vector<1x48000xi32>
    %bitcast_convert_type3A_139 = tpu.bitcast %shift_left3A_138 : vector<1x48000xi32> -> vector<1x48000xf32>
    %and3A_140 = arith.constant -65536 : i32
    %and3A_141 = vector.broadcast %and3A_140 : i32 to vector<1x48000xi32>
    %and3A_142 = arith.andi %get3A_135, %and3A_141 : vector<1x48000xi32>
    %bitcast_convert_type3A_143 = tpu.bitcast %and3A_142 : vector<1x48000xi32> -> vector<1x48000xf32>
    %mul3A_144 = arith.mulf %bitcast_convert_type3A_139, %mul3A_3 : vector<1x48000xf32>
    %mul3A_145 = arith.mulf %bitcast_convert_type3A_143, %sub3A_9 : vector<1x48000xf32>
    %swap3A_146 = arith.constant 7 : index
    %swap3A_147 = arith.constant 0 : index
    %swap3A_148 = vector.load %arg11[%swap3A_146, %swap3A_147] : memref<18x48000xf32, #tpu.memory_space<vmem>>, vector<1x48000xf32>
    tpu.vector_store %arg11[%swap3A_146, %swap3A_147], %mul3A_144 {strides = array<i32>} : memref<18x48000xf32, #tpu.memory_space<vmem>>, vector<1x48000xf32>,
    %swap3A_149 = arith.constant 16 : index
    %swap3A_150 = arith.constant 0 : index
    %swap3A_151 = vector.load %arg11[%swap3A_149, %swap3A_150] : memref<18x48000xf32, #tpu.memory_space<vmem>>, vector<1x48000xf32>
    tpu.vector_store %arg11[%swap3A_149, %swap3A_150], %mul3A_145 {strides = array<i32>} : memref<18x48000xf32, #tpu.memory_space<vmem>>, vector<1x48000xf32>,
    %get3A_152 = arith.constant 0 : index
    %get3A_153 = arith.constant 0 : index
    %get3A_154 = vector.load %arg9[%get3A_152, %get3A_153] : memref<1x48000xi32, #tpu.memory_space<vmem>>, vector<1x48000xi32>
    %shift_left3A_155 = arith.constant 16 : i32
    %shift_left3A_156 = vector.broadcast %shift_left3A_155 : i32 to vector<1x48000xi32>
    %shift_left3A_157 = arith.shli %get3A_154, %shift_left3A_156 : vector<1x48000xi32>
    %bitcast_convert_type3A_158 = tpu.bitcast %shift_left3A_157 : vector<1x48000xi32> -> vector<1x48000xf32>
    %and3A_159 = arith.constant -65536 : i32
    %and3A_160 = vector.broadcast %and3A_159 : i32 to vector<1x48000xi32>
    %and3A_161 = arith.andi %get3A_154, %and3A_160 : vector<1x48000xi32>
    %bitcast_convert_type3A_162 = tpu.bitcast %and3A_161 : vector<1x48000xi32> -> vector<1x48000xf32>
    %mul3A_163 = arith.mulf %bitcast_convert_type3A_158, %mul3A_3 : vector<1x48000xf32>
    %mul3A_164 = arith.mulf %bitcast_convert_type3A_162, %sub3A_9 : vector<1x48000xf32>
    %swap3A_165 = arith.constant 8 : index
    %swap3A_166 = arith.constant 0 : index
    %swap3A_167 = vector.load %arg11[%swap3A_165, %swap3A_166] : memref<18x48000xf32, #tpu.memory_space<vmem>>, vector<1x48000xf32>
    tpu.vector_store %arg11[%swap3A_165, %swap3A_166], %mul3A_163 {strides = array<i32>} : memref<18x48000xf32, #tpu.memory_space<vmem>>, vector<1x48000xf32>,
    %swap3A_168 = arith.constant 17 : index
    %swap3A_169 = arith.constant 0 : index
    %swap3A_170 = vector.load %arg11[%swap3A_168, %swap3A_169] : memref<18x48000xf32, #tpu.memory_space<vmem>>, vector<1x48000xf32>
    tpu.vector_store %arg11[%swap3A_168, %swap3A_169], %mul3A_164 {strides = array<i32>} : memref<18x48000xf32, #tpu.memory_space<vmem>>, vector<1x48000xf32>,
    return
  }
  func.func @transform_0(%arg0: i32) -> (i32, i32) {
    %c0_i32 = arith.constant 0 : i32
    %c0_i32_0 = arith.constant 0 : i32
    return %c0_i32, %arg0 : i32, i32
  }
  func.func @transform_1(%arg0: i32) -> (i32, i32) {
    %c0_i32 = arith.constant 0 : i32
    %c0_i32_0 = arith.constant 0 : i32
    return %c0_i32, %arg0 : i32, i32
  }
  func.func @transform_2(%arg0: i32) -> (i32, i32) {
    %c0_i32 = arith.constant 0 : i32
    %c0_i32_0 = arith.constant 0 : i32
    return %c0_i32, %arg0 : i32, i32
  }
  func.func @transform_3(%arg0: i32) -> (i32, i32) {
    %c0_i32 = arith.constant 0 : i32
    %c0_i32_0 = arith.constant 0 : i32
    return %c0_i32, %arg0 : i32, i32
  }
  func.func @transform_4(%arg0: i32) -> (i32, i32) {
    %c0_i32 = arith.constant 0 : i32
    %c0_i32_0 = arith.constant 0 : i32
    return %c0_i32, %arg0 : i32, i32
  }
  func.func @transform_5(%arg0: i32) -> (i32, i32) {
    %c0_i32 = arith.constant 0 : i32
    %c0_i32_0 = arith.constant 0 : i32
    return %c0_i32, %arg0 : i32, i32
  }
  func.func @transform_6(%arg0: i32) -> (i32, i32) {
    %c0_i32 = arith.constant 0 : i32
    %c0_i32_0 = arith.constant 0 : i32
    return %c0_i32, %arg0 : i32, i32
  }
  func.func @transform_7(%arg0: i32) -> (i32, i32) {
    %c0_i32 = arith.constant 0 : i32
    %c0_i32_0 = arith.constant 0 : i32
    return %c0_i32, %arg0 : i32, i32
  }
  func.func @transform_8(%arg0: i32) -> (i32, i32) {
    %c0_i32 = arith.constant 0 : i32
    %c0_i32_0 = arith.constant 0 : i32
    return %c0_i32, %arg0 : i32, i32
  }
  func.func @transform_9(%arg0: i32) -> (i32, i32) {
    %c0_i32 = arith.constant 0 : i32
    %c0_i32_0 = arith.constant 0 : i32
    return %c0_i32, %arg0 : i32, i32
  }
  func.func @transform_10(%arg0: i32) -> (i32, i32) {
    %c0_i32 = arith.constant 0 : i32
    %c0_i32_0 = arith.constant 0 : i32
    return %c0_i32, %arg0 : i32, i32
  }
}

</mosaic_0001>

<sc_bundles>
// kernel: kernel.6.cloned.1.call-start
scs
__scs_entry_jumppad:
0x0: {  	(pc) =	sbr.rel $0x88, $3  }
0x1: {  	(tag) =	ssettag $0x0;
	lr =	simm.s32 $0x1  }
0x2: {  	[smem:$0x3F9E] =	sst lr;
	_ =	strace $0xD0000000  }
0x3: {  	_ = 	snop  }
0x4: {  	_ = 	snop  }
0x5: {  	_ = 	snop  }
0x6: {  	_ = 	snop  }
0x7: {  	_ = 	snop  }
__scs_overlays_trampoline_lowered:
0x8: {  	[smem:$0x3FAD] =	sst s0  }
0x9: {  	[smem:$0x3FAE] =	sst s1  }
0xa: {  	[smem:$0x3FAF] =	sst s2  }
0xb: {  	[smem:$0x3FB0] =	sst s3  }
0xc: {  	[smem:$0x3FB1] =	sst s4  }
0xd: {  	[smem:$0x3FB2] =	sst s5  }
0xe: {  	[smem:$0x3FB3] =	sst s6  }
0xf: {  	[smem:$0x3FB4] =	sst s7  }
0x10: {  	[smem:$0x3FB5] =	sst s8  }
0x11: {  	[smem:$0x3FB6] =	sst s9;
	s0 =	simm.s32 @!p0 $0x0  }
0x12: {  	s1 =	sld [smem:$0x3F9C];
	s0 =	simm.s32 @p0 $0x1  }
0x13: {  	[smem:$0x3FB7] =	sst s0;
	s0 =	simm.s32 @!p1 $0x0  }
0x14: {  	s2 =	sld [smem:$0x3F9B];
	s0 =	simm.s32 @p1 $0x1  }
0x15: {  	[smem:$0x3FB8] =	sst s0;
	s0 =	simm.s32 @!p2 $0x0  }
0x16: {  	s3 =	sld [smem:$0x3FDB];
	s0 =	simm.s32 @p2 $0x1  }
0x17: {  	s4 =	simm.s32 $0x1BF5;
	[smem:$0x3FBA] =	sst s0  }
0x18: {  	s0 =	sld [smem:$0x3F9D];
	_ =	swait.ge [sflag:s4], $0x0  }
0x19: {  	s7 =	sld [smem:$0x3F9E]  }
0x1a: {  	s8 =	sadd.s32 $0xFFFFE003, lr  }
0x1b: {  	s9 =	sadd.s32 $0xFFFFFEF7, lr;
	s5 =	simm.s32 $0xFFFFFFFF;
	p2 =	slt.u32 s8, $0xFFFFF086  }
0x1c: {  	p1 =	slt.u32 s9, $0xF7A;
	s5 =	simm.s32 @!p2 $0x0  }
0x1d: {  	s5 =	simm.s32 @p1 $0x1;
	p0 =	seq.s32 s7, s2  }
0x1e: {  	s7 =	smul.u32 @!p0 $0xF7A, s2;
	p2 =	seq.s32 @!p0 s5, $0x0  }
0x1f: {  	s9 =	smul.u32 $0xF7A, s1;
	s8 =	simm.s32 @!p0 $0x1BF5;
	p2 =	por !p2, p0  }
0x20: {  	[sflag:s8] =	ssyncset.s32 @!p0 $0xFFFFF086;
	s6 =	sadd.s32 @!p0 s3, s7;
	s7 =	simm.s32 @!p0 $0x108  }
0x21: {  	s3 =	sadd.s32 s3, s9;
	s6 =	sadd.s32 @!p0 $0x88, s6;
	s7 =	simm.s32 @p2 $0x1082  }
0x22: {  	[simem:s7], [sflag:s8] =	dma.local @!p0 [hbm:s6], $0xF7A  }
0x23: {  	s9 =	sor.u32 $0xD0000000, s2;
	s6 =	simm.s32 $0x108;
	_ =	swait.ge @!p0 [sflag:s8], $0x0  }
0x24: {  	s3 =	sadd.s32 $0x88, s3;
	s6 =	simm.s32 @!p1 $0x1082;
	[sflag:s4] =	ssyncset.s32 $0xFFFFF086  }
0x25: {  	[simem:s6], [sflag:s4] =	dma.local [hbm:s3], $0xF7A  }
0x26: {  	[smem:$0x3F9E] =	sst s1;
	(tag) =	ssettag s2;
	_ =	strace s9  }
0x27: {  	s1 =	sld [smem:$0x3FAE]  }
0x28: {  	s2 =	sld [smem:$0x3FAF]  }
0x29: {  	s4 =	sld [smem:$0x3FB1]  }
0x2a: {  	p0 =	seq.s32 s5, $0x0;
	s5 =	sld [smem:$0x3FB2]  }
0x2b: {  	s6 =	sld [smem:$0x3FB3]  }
0x2c: {  	s7 =	sld [smem:$0x3FB4]  }
0x2d: {  	s3 =	simm.s32 $0x108;
	s8 =	sld [smem:$0x3FB5]  }
0x2e: {  	s3 =	simm.s32 @!p0 $0x1082;
	s9 =	sld [smem:$0x3FB6]  }
0x2f: {  	lr =	sadd.s32 s0, s3;
	s0 =	sld [smem:$0x3FAD]  }
0x30: {  	s3 =	sld [smem:$0x3FB0]  }
0x31: {  	[smem:$0x3FB9] =	sst s10  }
0x32: {  	s10 =	sld [smem:$0x3FB7];
	_ =	sdelay $0x3  }
0x33: {  	p0 =	seq.s32 s10, $0x1;
	s10 =	sld [smem:$0x3FB9];
	_ =	sdelay $0x3  }
0x34: {  	[smem:$0x3FB9] =	sst s10  }
0x35: {  	s10 =	sld [smem:$0x3FB8];
	_ =	sdelay $0x3  }
0x36: {  	p1 =	seq.s32 s10, $0x1;
	s10 =	sld [smem:$0x3FB9];
	_ =	sdelay $0x3  }
0x37: {  	[smem:$0x3FB9] =	sst s10  }
0x38: {  	s10 =	sld [smem:$0x3FBA]  }
0x39: {  	_ = 	snop;
	(pc) =	sbr.ind lr, $3  }
0x3a: {  	_ = 	snop  }
0x3b: {  	_ = 	snop  }
0x3c: {  	p2 =	seq.s32 s10, $0x1;
	s10 =	sld [smem:$0x3FB9]  }
0x3d: {  	_ =	shalt  }
0x3e: {  	_ =	shalt  }
0x3f: {  	_ =	shalt  }
0x40: {  	_ =	shalt  }
0x41: {  	_ =	shalt  }
0x42: {  	_ =	shalt  }
0x43: {  	_ =	shalt  }
0x44: {  	_ =	shalt  }
0x45: {  	_ =	shalt  }
0x46: {  	_ =	shalt  }
0x47: {  	_ =	shalt  }
0x48: {  	_ =	shalt  }
0x49: {  	_ =	shalt  }
0x4a: {  	_ =	shalt  }
0x4b: {  	_ =	shalt  }
0x4c: {  	_ =	shalt  }
0x4d: {  	_ =	shalt  }
0x4e: {  	_ =	shalt  }
0x4f: {  	_ =	shalt  }
0x50: {  	_ =	shalt  }
0x51: {  	_ =	shalt  }
0x52: {  	_ =	shalt  }
0x53: {  	_ =	shalt  }
0x54: {  	_ =	shalt  }
0x55: {  	_ =	shalt  }
0x56: {  	_ =	shalt  }
0x57: {  	_ =	shalt  }
0x58: {  	_ =	shalt  }
0x59: {  	_ =	shalt  }
0x5a: {  	_ =	shalt  }
0x5b: {  	_ =	shalt  }
0x5c: {  	_ =	shalt  }
0x5d: {  	_ =	shalt  }
0x5e: {  	_ =	shalt  }
0x5f: {  	_ =	shalt  }
0x60: {  	_ =	shalt  }
0x61: {  	_ =	shalt  }
0x62: {  	_ =	shalt  }
0x63: {  	_ =	shalt  }
0x64: {  	_ =	shalt  }
0x65: {  	_ =	shalt  }
0x66: {  	_ =	shalt  }
0x67: {  	_ =	shalt  }
0x68: {  	_ =	shalt  }
0x69: {  	_ =	shalt  }
0x6a: {  	_ =	shalt  }
0x6b: {  	_ =	shalt  }
0x6c: {  	_ =	shalt  }
0x6d: {  	_ =	shalt  }
0x6e: {  	_ =	shalt  }
0x6f: {  	_ =	shalt  }
0x70: {  	_ =	shalt  }
0x71: {  	_ =	shalt  }
0x72: {  	_ =	shalt  }
0x73: {  	_ =	shalt  }
0x74: {  	_ =	shalt  }
0x75: {  	_ =	shalt  }
0x76: {  	_ =	shalt  }
0x77: {  	_ =	shalt  }
0x78: {  	_ =	shalt  }
0x79: {  	_ =	shalt  }
0x7a: {  	_ =	shalt  }
0x7b: {  	_ =	shalt  }
0x7c: {  	_ =	shalt  }
0x7d: {  	_ =	shalt  }
0x7e: {  	_ =	shalt  }
0x7f: {  	_ =	shalt  }
0x80: {  	_ =	shalt  }
0x81: {  	_ =	shalt  }
0x82: {  	_ =	shalt  }
0x83: {  	_ =	shalt  }
0x84: {  	_ =	shalt  }
0x85: {  	_ =	shalt  }
0x86: {  	_ =	shalt  }
0x87: {  	_ =	shalt  }
.Lfunc_end0:
.L_simem_size_0:
called_computation_lowered:
.L_overlay_start_0:
0x88: {  	s2 =	sld [smem:$0x3FD9]  }
0x89: {  	s3 =	sld [smem:$0x3FFE];
	_ =	sdelay $0x1  }
0x8a: {  	s1 =	srdreg.scid  }
0x8b: {  	s0 =	sand.u32 $0x1, s1  }
0x8c: {  	s17 =	sshll.u32 s0, $0xA;
	s2 =	sadd.s32 s3, s2  }
0x8d: {  	s2 =	sadd.s32 s2, s17  }
0x8e: {  	[smem:$0x3FC5] =	sst s2  }
0x8f: {  	_ = 	snop  }
0x90: {  	s2 =	sld [smem:$0x3FC7]  }
0x91: {  	s18 =	sld [smem:$0x3FD0];
	(tm) =	ssettm $0x1  }
0x92: {  	s4 =	sld [smem:$0x3FFB];
	_ =	sdelay $0x3  }
0x93: {  	_ =	strace s4  }
0x94: {  	s4 =	sld [smem:$0x3FFC];
	_ =	sdelay $0x3  }
0x95: {  	_ =	strace s4  }
0x96: {  	s4 =	sld [smem:$0x3FFD];
	_ =	sdelay $0x3  }
0x97: {  	_ =	strace s4  }
0x98: {  	_ =	strace $0x8FFFFFFF  }
0x99: {  	s19 =	sld [smem:$0x3FDB];
	_ =	sdelay $0x1  }
0x9a: {  	s5 =	simm.s32 $_scs_section_size  }
0x9b: {  	s6 =	simm.s32 $_size__tile_overlayer_lowered;
	s7 =	simm.s32 $_tile_overlayer_lowered  }
0x9c: {  	s22 =	simm.s32 $0x1BFF;
	s21 =	sshll.u32 s7, $0x1;
	s4 =	sadd.s32 s5, s19  }
0x9d: {  	s8 =	simm.s32 $0x0;
	s20 =	sshll.u32 s6, $0x1;
	s6 =	sadd.s32 s21, s4  }
0x9e: {  	[timem:s8], [sflag:s22] =	dma.local [hbm:s6], s20  }
0x9f: {  	_ =	swait.ge [sflag:s22], s20  }
0xa0: {  	s5 =	ssub.s32 $0x0, s20;
	[sflag:s22] =	ssyncset.done $0x0  }
0xa1: {  	[sflag:s22] =	ssyncadd.s32 s5;
	_ =	sdelay $0x1  }
0xa2: {  	s23 =	simm.s32 $0x1B8B  }
0xa3: {  	_ =	swait.ge [sflag:s23], $0x1  }
0xa4: {  	[sflag:s23] =	ssyncset.done $0x0  }
0xa5: {  	s25 =	simm.s32 $0x1B8E;
	s24 =	sld [smem:$0x3FFE];
	[sflag:s23] =	ssyncadd.s32 $0xFFFFFFFF  }
0xa6: {  	s26 =	simm.s32 $execute0_lowered;
	[smem:$0x3FD2] =	sst s25  }
0xa7: {  	s6 =	sshll.u32 s26, $0x1;
	_ =	strace $0x80000046;
	[dreg:$0x1] =	wrdreg $0xFFFFFFFF  }
0xa8: {  	s28 =	simm.s32 $_size_execute0_lowered;
	s4 =	sadd.s32 s4, s6;
	[dreg:$0x0] =	wrdreg $0x0  }
0xa9: {  	s6 =	sshll.u32 s28, $0x1;
	[dreg:$0x2] =	wrdreg s4  }
0xaa: {  	[dreg:$0x3] =	wrdreg s6  }
0xab: {  	[dreg:$0x4] =	wrdreg $0xC0  }
0xac: {  	_ =	task [dreg:s8], $0x5FFFF  }
0xad: {  	[dreg:$0x1] =	wrdreg $0xFFFFFFFF  }
0xae: {  	[dreg:$0x0] =	wrdreg $0x60  }
0xaf: {  	[dreg:$0x2] =	wrdreg s18  }
0xb0: {  	[dreg:$0x3] =	wrdreg s2  }
0xb1: {  	[dreg:$0x4] =	wrdreg s24  }
0xb2: {  	[dreg:$0x5] =	wrdreg $0x9  }
0xb3: {  	_ =	task.clear_ibuf [dreg:s8], $0x6FFFF;
	_ =	strace $0x90000046  }
0xb4: {  	s29 =	simm.s32 $0x9;
	_ =	strace $0x80000048  }
0xb5: {  	_ =	swait.ge [sflag:s29], $0x1  }
0xb6: {  	[sflag:s29] =	ssyncadd.s32 $0xFFFFFFFF  }
0xb7: {  	_ =	strace $0x90000048  }
0xb8: {  	_ =	sfence  }
0xb9: {  	s30 =	sld [smem:$0x0];
	_ =	sdelay $0x2  }
0xba: {  	s31 =	sshll.u32 s1, $0xD;
	s1 =	sshrl.u32 s1, $0x2  }
0xbb: {  	s3 =	sand.u32 $0x4000, s31;
	s1 =	sadd.s32 s1, s30  }
0xbc: {  	s0 =	sor.u32 s3, s0;
	s1 =	sshll.u32 s1, $0x11  }
0xbd: {  	s0 =	sor.u32 s1, s0  }
0xbe: {  	s0 =	sadd.s32 $0x8F2B, s0  }
0xbf: {  	[sflag:s0] =	ssyncadd.remote.s32 $0x1  }
0xc0: {  	_ =	sfence.sel $0xFFFF  }
0xc1: {  	[dreg:$0x0] =	wrdreg $0xFFFFFFFF;
	(pc) =	sbr.abs _section_cstart, $3  }
0xc2: {  	[dreg:$0x1] =	wrdreg $0xFFFFFFFF  }
0xc3: {  	_ =	task.clear_ibuf [dreg:s8], $0x2FFFF;
	_ =	strace $0x9FFFFFFF  }
0xc4: {  	(tm) =	ssettm $0x7FFFFFFF  }
0xc5: {  	_ =	shalt  }
tec
execute0_lowered:
.L_overlay_start_1:
0x0: {  	(tag) =	ssettag $0x1  }
0x1: {  	v0 =	vimm.s32 $0x76543210  }
0x2: {  	v1 =	vimm.s32 $0x65432108;
	vm14 =	vcmask $0x300;
	v2 =	vimm.s32 $0x2D07  }
0x3: {  	vm13 =	vcmask $0x704;
	vm12 =	vcmask $0xB08;
	vm11 =	vcmask $0xF0C  }
0x4: {  	vm10 =	vcmask $0x1310;
	vm9 =	vcmask $0x1714;
	vm8 =	vcmask $0x1B18  }
0x5: {  	vm7 =	vcmask $0x1F1C;
	vm6 =	vcmask $0x2320;
	v4 =	vimm.s32 $0x3487  }
0x6: {  	vm5 =	vcmask $0x2724;
	vm4 =	vcmask $0x2B28;
	vm3 =	vcmask $0x2F2C  }
0x7: {  	vm2 =	vcmask $0x3330;
	v5 =	vimm.s32 $0x87654321;
	vm1 =	vcmask $0x3734  }
0x8: {  	vm0 =	vcmask $0x3B38;
	v6 =	vimm.s32 $0x3C07;
	v8 =	vimm.s32 $0x7  }
0x9: {  	v9 =	vimm.s32 $0x10876543;
	v10 =	vimm.s32 $0x787;
	v11 =	vimm.s32 $0xF07  }
0xa: {  	v12 =	vimm.s32 $0x21087654;
	v13 =	vimm.s32 $0x32108765;
	v15 =	vimm.s32 $0x43210876  }
0xb: {  	v16 =	vimm.s32 $0x54321087;
	v18 =	vimm.s32 $0x1687;
	v0 =	vunpack.c.l.s4.s8 v0  }
0xc: {  	v1 =	vunpack.c.l.s4.s8 v1;
	v2 =	vsel vm14, $0x0, v2;
	v4 =	vsel vm14, $0x780, v4  }
0xd: {  	v5 =	vunpack.c.l.s4.s8 v5;
	v6 =	vsel vm14, $0xF00, v6;
	v8 =	vsel vm14, $0x1680, v8  }
0xe: {  	v9 =	vunpack.c.l.s4.s8 v9;
	v10 =	vsel vm14, $0x1E00, v10;
	v11 =	vsel vm14, $0x2580, v11  }
0xf: {  	v12 =	vunpack.c.l.s4.s8 v12;
	v13 =	vunpack.c.l.s4.s8 v13;
	v15 =	vunpack.c.l.s4.s8 v15  }
0x10: {  	v16 =	vunpack.c.l.s4.s8 v16;
	v4 =	vsel vm13, $0xF01, v4;
	v6 =	vsel vm13, $0x1681, v6  }
0x11: {  	v8 =	vsel vm13, $0x1E01, v8;
	v10 =	vsel vm13, $0x2581, v10;
	v11 =	vsel vm13, $0x2D01, v11  }
0x12: {  	v3 =	vunpack.c.0.s8.s32 v0;
	v0 =	vsel vm13, $0x781, v2;
	v14 =	vunpack.c.0.s8.s32 v1  }
0x13: {  	v4 =	vsel vm12, $0x1682, v4;
	v5 =	vunpack.c.0.s8.s32 v5;
	v6 =	vsel vm12, $0x1E02, v6  }
0x14: {  	v8 =	vsel vm12, $0x2582, v8;
	v9 =	vunpack.c.0.s8.s32 v9;
	v10 =	vsel vm12, $0x2D02, v10  }
0x15: {  	v11 =	vsel vm12, $0x3482, v11;
	v12 =	vunpack.c.0.s8.s32 v12;
	v13 =	vunpack.c.0.s8.s32 v13  }
0x16: {  	v15 =	vunpack.c.0.s8.s32 v15;
	v16 =	vunpack.c.0.s8.s32 v16;
	v0 =	vsel vm12, $0xF02, v0  }
0x17: {  	v4 =	vsel vm11, $0x1E03, v4;
	v6 =	vsel vm11, $0x2583, v6;
	v8 =	vsel vm11, $0x2D03, v8  }
0x18: {  	v10 =	vsel vm11, $0x3483, v10;
	v11 =	vsel vm11, $0x3C03, v11;
	v0 =	vsel vm11, $0x1683, v0  }
0x19: {  	v1 =	vcombine.low v3, v14;
	v4 =	vsel vm10, $0x2584, v4;
	v7 =	vand.u32 $0xF, v5  }
0x1a: {  	v6 =	vsel vm10, $0x2D04, v6;
	v8 =	vsel vm10, $0x3484, v8;
	v10 =	vsel vm10, $0x3C04, v10  }
0x1b: {  	v11 =	vsel vm10, $0x4, v11;
	v19 =	vcombine.low v14, v16;
	v14 =	vimm.s32 $0x2587  }
0x1c: {  	v2 =	vsel vm10, $0x1E04, v0;
	v0 =	vlaneseq.u32;
	v4 =	vsel vm9, $0x2D05, v4  }
0x1d: {  	v3 =	vcombine.low v7, v3;
	v7 =	vimm.s32 $0x8765432;
	v6 =	vsel vm9, $0x3485, v6  }
0x1e: {  	v8 =	vsel vm9, $0x3C05, v8;
	v10 =	vsel vm9, $0x5, v10;
	v11 =	vsel vm9, $0x785, v11  }
0x1f: {  	v14 =	vsel vm14, $0x3C00, v14;
	v2 =	vsel vm9, $0x2585, v2;
	v1 =	vand.u32 $0xF, v1  }
0x20: {  	v4 =	vsel vm8, $0x3486, v4;
	v7 =	vunpack.c.l.s4.s8 v7;
	v6 =	vsel vm8, $0x3C06, v6  }
0x21: {  	v8 =	vsel vm8, $0x6, v8;
	v10 =	vsel vm8, $0x786, v10;
	v11 =	vsel vm8, $0xF06, v11  }
0x22: {  	v14 =	vsel vm13, $0x1, v14;
	v2 =	vsel vm8, $0x2D06, v2;
	v4 =	vsel vm7, $0x3C07, v4  }
0x23: {  	v6 =	vsel vm7, $0x7, v6;
	v8 =	vsel vm7, $0x787, v8;
	v10 =	vsel vm7, $0xF07, v10  }
0x24: {  	v11 =	vsel vm7, $0x1687, v11;
	v14 =	vsel vm12, $0x782, v14;
	v2 =	vsel vm7, $0x3487, v2  }
0x25: {  	v4 =	vsel vm6, $0x0, v4;
	v7 =	vunpack.c.0.s8.s32 v7;
	v6 =	vsel vm6, $0x780, v6  }
0x26: {  	v8 =	vsel vm6, $0xF00, v8;
	v10 =	vsel vm6, $0x1680, v10;
	v11 =	vsel vm6, $0x1E00, v11  }
0x27: {  	v14 =	vsel vm11, $0xF03, v14;
	v2 =	vsel vm6, $0x3C00, v2;
	v4 =	vsel vm5, $0x781, v4  }
0x28: {  	v6 =	vsel vm5, $0xF01, v6;
	v8 =	vsel vm5, $0x1681, v8;
	v10 =	vsel vm5, $0x1E01, v10  }
0x29: {  	v11 =	vsel vm5, $0x2581, v11;
	v14 =	vsel vm10, $0x1684, v14;
	v2 =	vsel vm5, $0x1, v2  }
0x2a: {  	v4 =	vsel vm4, $0xF02, v4;
	v5 =	vcombine.low v7, v5;
	v6 =	vsel vm4, $0x1682, v6  }
0x2b: {  	v7 =	vcombine.low v9, v7;
	v8 =	vsel vm4, $0x1E02, v8;
	v9 =	vcombine.low v12, v9  }
0x2c: {  	v10 =	vsel vm4, $0x2582, v10;
	v11 =	vsel vm4, $0x2D02, v11;
	v12 =	vcombine.low v13, v12  }
0x2d: {  	v13 =	vcombine.low v15, v13;
	v15 =	vcombine.low v16, v15;
	v14 =	vsel vm9, $0x1E05, v14  }
0x2e: {  	v2 =	vsel vm4, $0x782, v2;
	v4 =	vsel vm3, $0x1683, v4;
	v6 =	vsel vm3, $0x1E03, v6  }
0x2f: {  	v8 =	vsel vm3, $0x2583, v8;
	v10 =	vsel vm3, $0x2D03, v10;
	v11 =	vsel vm3, $0x3483, v11  }
0x30: {  	v14 =	vsel vm8, $0x2586, v14;
	v2 =	vsel vm3, $0xF03, v2;
	v4 =	vsel vm2, $0x1E04, v4  }
0x31: {  	v5 =	vand.u32 $0xF, v5;
	v6 =	vsel vm2, $0x2584, v6;
	v7 =	vand.u32 $0xF, v7  }
0x32: {  	v8 =	vsel vm2, $0x2D04, v8;
	v9 =	vand.u32 $0xF, v9;
	v10 =	vsel vm2, $0x3484, v10  }
0x33: {  	v11 =	vsel vm2, $0x3C04, v11;
	v13 =	vand.u32 $0xF, v13;
	v14 =	vsel vm7, $0x2D07, v14  }
0x34: {  	v15 =	vand.u32 $0xF, v15;
	v2 =	vsel vm2, $0x1684, v2;
	v17 =	vsel vm1, $0x5, v11  }
0x35: {  	v11 =	vand.u32 $0xF, v12;
	v12 =	vsel vm0, $0x786, v17;
	v17 =	vsel vm14, $0x2D00, v18  }
0x36: {  	v4 =	vsel vm1, $0x2585, v4;
	v18 =	vimm.s32 $0x1E07;
	v17 =	vsel vm13, $0x3481, v17  }
0x37: {  	v6 =	vsel vm1, $0x2D05, v6;
	v16 =	vsel vm12, $0x3C02, v17;
	v17 =	vsel vm14, $0x3480, v18  }
0x38: {  	s0 =	rddreg [dreg:$0x0];
	v8 =	vsel vm1, $0x3485, v8;
	v16 =	vsel vm11, $0x3, v16;
	v17 =	vsel vm13, $0x3C01, v17  }
0x39: {  	s1 =	rddreg [dreg:$0x2];
	v10 =	vsel vm1, $0x3C05, v10;
	v16 =	vsel vm10, $0x784, v16;
	v17 =	vsel vm12, $0x2, v17  }
0x3a: {  	s3 =	simm.s32 $0x0;
	s2 =	srdreg.scid;
	s15 =	stileid.u32;
	v14 =	vsel vm6, $0x3480, v14;
	v16 =	vsel vm9, $0xF05, v16;
	v17 =	vsel vm11, $0x783, v17  }
0x3b: {  	s17 =	simm.s32 $0x3;
	s18 =	simm.s32 $0x80;
	s19 =	simm.s32 $0x780;
	v2 =	vsel vm1, $0x1E05, v2;
	v16 =	vsel vm8, $0x1686, v16;
	v17 =	vsel vm10, $0xF04, v17  }
0x3c: {  	s16 =	simm.s32 $0x7F80;
	s20 =	simm.s32 $0x8E80;
	s21 =	simm.s32 $0x9600;
	v4 =	vsel vm0, $0x2D06, v4;
	v16 =	vsel vm7, $0x1E07, v16;
	v17 =	vsel vm9, $0x1685, v17  }
0x3d: {  	s22 =	simm.s32 $0x9D80;
	s23 =	simm.s32 $0xA500;
	s24 =	simm.s32 $0xAC80;
	v6 =	vsel vm0, $0x3486, v6;
	v16 =	vsel vm6, $0x2580, v16;
	v17 =	vsel vm8, $0x1E06, v17  }
0x3e: {  	s25 =	simm.s32 $0xB400;
	s26 =	simm.s32 $0xBB80;
	s28 =	simm.s32 $0x2;
	v8 =	vsel vm0, $0x3C06, v8;
	v16 =	vsel vm5, $0x2D01, v16;
	v17 =	vsel vm7, $0x2587, v17  }
0x3f: {  	[smem:$0x7FF] =	sst s3;
	s4 =	sadd.s32 $0x2400, s1;
	s5 =	sadd.s32 $0x1FA00, s1;
	v10 =	vsel vm0, $0x6, v10;
	v16 =	vsel vm4, $0x3482, v16;
	v17 =	vsel vm6, $0x2D00, v17  }
0x40: {  	s6 =	sadd.s32 $0x3D000, s1;
	s7 =	sand.u32 $0x1, s2;
	s8 =	sadd.s32 $0x5A600, s1;
	v14 =	vsel vm5, $0x3C01, v14;
	v16 =	vsel vm3, $0x3C03, v16;
	v17 =	vsel vm5, $0x3481, v17  }
.Ltmp0:
0x41: {  	s9 =	sadd.s32 $0x77C00, s1;
	s2 =	ssub.s32 $0x2, s7;
	v14 =	vsel vm4, $0x2, v14;
	v16 =	vsel vm2, $0x4, v16;
	v17 =	vsel vm4, $0x3C02, v17;
	(pc) =	sbr.rel .LBB2_1-.Ltmp0, $4  }
0x42: {  	s10 =	sadd.s32 $0x95200, s1;
	s11 =	sadd.s32 $0xB2800, s1;
	s12 =	sshrl.u32 s2, $0x1;
	v18 =	vsel vm3, $0x783, v14;
	v16 =	vsel vm1, $0x785, v16;
	v17 =	vsel vm3, $0x3, v17  }
0x43: {  	s13 =	sadd.s32 $0xCFE00, s1;
	s14 =	sadd.s32 $0xED400, s1;
	s2 =	ssub.s32 s2, s12;
	v14 =	vsel vm0, $0xF06, v16;
	v16 =	vsel vm2, $0x784, v17;
	v17 =	vsel vm2, $0xF04, v18  }
0x44: {  	s15 =	sshll.u32 s15, $0x1;
	s1 =	simm.s32 $0x0;
	s31 =	smax.u32 s2, $0x1;
	v2 =	vsel vm0, $0x2586, v2;
	v16 =	vsel vm1, $0xF05, v16;
	v18 =	vsel vm1, $0x1685, v17  }
0x45: {  	_ =	strace $0x80000047;
	s12 =	simm.s32 $0x1;
	[dreg:$0x4] =	wrdreg s31;
	v17 =	vand.u32 $0xF, v19;
	v16 =	vsel vm0, $0x1686, v16;
	v18 =	vsel vm0, $0x1E06, v18  }
.LBB2_7:
0x46: {  	s1 =	rddreg [dreg:$0x5]  }
0x47: {  	s2 =	rddreg [dreg:$0x4];
	s1 =	sadd.s32 $0x1, s1  }
0x48: {  	p0 =	sne.s32 s1, s2  }
.Ltmp1:
0x49: {  	_ = 	snop;
	(pc) =	sbr.rel @!p0 .LBB2_8-.Ltmp1, $1  }
0x4a: {  	_ =	sdelay $0x3  }
.LBB2_1:
.Ltmp2:
0x4b: {  	(pc) =	sbr.rel .LBB2_2-.Ltmp2, $2  }
0x4c: {  	_ =	sdelay $0x2  }
0x4d: {  	[dreg:$0x5] =	wrdreg s1;
	s29 =	simm.s32 $0x0  }
.LBB2_6:
0x4e: {  	s29 =	sadd.s32 $0x1, s29  }
0x4f: {  	p0 =	sne.s32 s29, $0x10  }
.Ltmp3:
0x50: {  	_ = 	snop;
	(pc) =	sbr.rel @!p0 .LBB2_7-.Ltmp3, $1  }
0x51: {  	_ =	sdelay $0x3  }
.LBB2_2:
0x52: {  	s30 =	sshll.u32 s29, $0x5  }
0x53: {  	s30 =	sor.u32 s15, s30  }
0x54: {  	p0 =	sgt.u32 s30, $0x1F3  }
.Ltmp4:
0x55: {  	_ = 	snop;
	(pc) =	sbr.rel @p0 .LBB2_6-.Ltmp4, $1  }
0x56: {  	_ =	sdelay $0x3  }
0x57: {  	s30 =	sor.u32 s7, s30  }
0x58: {  	s30 =	smul.u32 $0xF0, s30  }
0x59: {  	s2 =	rddreg [dreg:$0x1]  }
0x5a: {  	s31 =	sadd.s32 s2, s30;
	s2 =	simm.s32 $0x0  }
0x5b: {  	[tilespmem:s2], [sflag:$0x3] =	stream.linear.gather [hbm4b:s31+s2], $0x780, $0x38;
	[tilespmem:$0xC300] =	vst v63  }
0x5c: {  	_ =	swait.ge [sflag:s17], $0x780  }
0x5d: {  	[sflag:s17] =	ssyncset.done $0x0  }
0x5e: {  	[sflag:s17] =	ssyncadd.s32 $0xFFFFF880  }
0x5f: {  	[tilespmem:s19], [sflag:$0x1] =	stream.indirect.gather [hbm4b:s0+s18], $0x10, s2, s18, $0xb8;
	[tilespmem:$0xC300] =	vst v63  }
0x60: {  	s31 =	simm.s32 $0xF80  }
0x61: {  	[tilespmem:s31], [sflag:$0x1] =	stream.indirect.gather [hbm4b:s0+s18], $0x10, s18, s18, $0xb8;
	[tilespmem:$0xC300] =	vst v63  }
0x62: {  	s1 =	simm.s32 $0x1780;
	s31 =	simm.s32 $0x100  }
0x63: {  	[tilespmem:s1], [sflag:$0x1] =	stream.indirect.gather [hbm4b:s0+s18], $0x10, s31, s18, $0xb8;
	[tilespmem:$0xC300] =	vst v63  }
0x64: {  	s1 =	simm.s32 $0x180;
	s31 =	simm.s32 $0x1F80  }
0x65: {  	[tilespmem:s31], [sflag:$0x1] =	stream.indirect.gather [hbm4b:s0+s18], $0x10, s1, s18, $0xb8;
	[tilespmem:$0xC300] =	vst v63  }
0x66: {  	s1 =	simm.s32 $0x200;
	s31 =	simm.s32 $0x2780  }
0x67: {  	[tilespmem:s31], [sflag:$0x1] =	stream.indirect.gather [hbm4b:s0+s18], $0x10, s1, s18, $0xb8;
	[tilespmem:$0xC300] =	vst v63  }
0x68: {  	s1 =	simm.s32 $0x280;
	s31 =	simm.s32 $0x2F80  }
0x69: {  	[tilespmem:s31], [sflag:$0x1] =	stream.indirect.gather [hbm4b:s0+s18], $0x10, s1, s18, $0xb8;
	[tilespmem:$0xC300] =	vst v63  }
0x6a: {  	s1 =	simm.s32 $0x300;
	s31 =	simm.s32 $0x3780  }
0x6b: {  	[tilespmem:s31], [sflag:$0x1] =	stream.indirect.gather [hbm4b:s0+s18], $0x10, s1, s18, $0xb8;
	[tilespmem:$0xC300] =	vst v63  }
0x6c: {  	s1 =	simm.s32 $0x380;
	s31 =	simm.s32 $0x3F80  }
0x6d: {  	[tilespmem:s31], [sflag:$0x1] =	stream.indirect.gather [hbm4b:s0+s18], $0x10, s1, s18, $0xb8;
	[tilespmem:$0xC300] =	vst v63  }
0x6e: {  	s1 =	simm.s32 $0x400;
	s31 =	simm.s32 $0x4780  }
0x6f: {  	[tilespmem:s31], [sflag:$0x1] =	stream.indirect.gather [hbm4b:s0+s18], $0x10, s1, s18, $0xb8;
	[tilespmem:$0xC300] =	vst v63  }
0x70: {  	s1 =	simm.s32 $0x480;
	s31 =	simm.s32 $0x4F80  }
0x71: {  	[tilespmem:s31], [sflag:$0x1] =	stream.indirect.gather [hbm4b:s0+s18], $0x10, s1, s18, $0xb8;
	[tilespmem:$0xC300] =	vst v63  }
0x72: {  	s1 =	simm.s32 $0x500;
	s31 =	simm.s32 $0x5780  }
0x73: {  	[tilespmem:s31], [sflag:$0x1] =	stream.indirect.gather [hbm4b:s0+s18], $0x10, s1, s18, $0xb8;
	[tilespmem:$0xC300] =	vst v63  }
0x74: {  	s1 =	simm.s32 $0x580;
	s31 =	simm.s32 $0x5F80  }
0x75: {  	[tilespmem:s31], [sflag:$0x1] =	stream.indirect.gather [hbm4b:s0+s18], $0x10, s1, s18, $0xb8;
	[tilespmem:$0xC300] =	vst v63  }
0x76: {  	s1 =	simm.s32 $0x600;
	s31 =	simm.s32 $0x6780  }
0x77: {  	[tilespmem:s31], [sflag:$0x1] =	stream.indirect.gather [hbm4b:s0+s18], $0x10, s1, s18, $0xb8;
	[tilespmem:$0xC300] =	vst v63  }
0x78: {  	s1 =	simm.s32 $0x680;
	s31 =	simm.s32 $0x6F80  }
0x79: {  	[tilespmem:s31], [sflag:$0x1] =	stream.indirect.gather [hbm4b:s0+s18], $0x10, s1, s18, $0xb8;
	[tilespmem:$0xC300] =	vst v63  }
0x7a: {  	s1 =	simm.s32 $0x700;
	s31 =	simm.s32 $0x7780  }
0x7b: {  	[tilespmem:s31], [sflag:$0x1] =	stream.indirect.gather [hbm4b:s0+s18], $0x10, s1, s18, $0xb8;
	[tilespmem:$0xC300] =	vst v63  }
0x7c: {  	_ =	swait.ge [sflag:s12], $0x800  }
0x7d: {  	[sflag:s12] =	ssyncset.done $0x0  }
0x7e: {  	[sflag:s12] =	ssyncadd.s32 $0xFFFFF800  }
0x7f: {  	_ =	swait.ge [sflag:s12], $0x800  }
0x80: {  	[sflag:s12] =	ssyncset.done $0x0  }
0x81: {  	[sflag:s12] =	ssyncadd.s32 $0xFFFFF800  }
0x82: {  	_ =	swait.ge [sflag:s12], $0x800  }
0x83: {  	[sflag:s12] =	ssyncset.done $0x0  }
0x84: {  	[sflag:s12] =	ssyncadd.s32 $0xFFFFF800  }
0x85: {  	_ =	swait.ge [sflag:s12], $0x800  }
0x86: {  	[sflag:s12] =	ssyncset.done $0x0  }
0x87: {  	[sflag:s12] =	ssyncadd.s32 $0xFFFFF800  }
0x88: {  	_ =	swait.ge [sflag:s12], $0x800  }
0x89: {  	[sflag:s12] =	ssyncset.done $0x0  }
0x8a: {  	[sflag:s12] =	ssyncadd.s32 $0xFFFFF800  }
0x8b: {  	_ =	swait.ge [sflag:s12], $0x800  }
0x8c: {  	[sflag:s12] =	ssyncset.done $0x0  }
0x8d: {  	[sflag:s12] =	ssyncadd.s32 $0xFFFFF800  }
0x8e: {  	_ =	swait.ge [sflag:s12], $0x800  }
0x8f: {  	[sflag:s12] =	ssyncset.done $0x0  }
0x90: {  	[sflag:s12] =	ssyncadd.s32 $0xFFFFF800  }
0x91: {  	_ =	swait.ge [sflag:s12], $0x800  }
0x92: {  	[sflag:s12] =	ssyncset.done $0x0  }
0x93: {  	[sflag:s12] =	ssyncadd.s32 $0xFFFFF800  }
0x94: {  	_ =	swait.ge [sflag:s12], $0x800  }
0x95: {  	[sflag:s12] =	ssyncset.done $0x0  }
0x96: {  	[sflag:s12] =	ssyncadd.s32 $0xFFFFF800  }
0x97: {  	_ =	swait.ge [sflag:s12], $0x800  }
0x98: {  	[sflag:s12] =	ssyncset.done $0x0  }
0x99: {  	[sflag:s12] =	ssyncadd.s32 $0xFFFFF800  }
0x9a: {  	_ =	swait.ge [sflag:s12], $0x800  }
0x9b: {  	[sflag:s12] =	ssyncset.done $0x0  }
0x9c: {  	[sflag:s12] =	ssyncadd.s32 $0xFFFFF800  }
0x9d: {  	_ =	swait.ge [sflag:s12], $0x800  }
0x9e: {  	[sflag:s12] =	ssyncset.done $0x0  }
0x9f: {  	[sflag:s12] =	ssyncadd.s32 $0xFFFFF800  }
0xa0: {  	_ =	swait.ge [sflag:s12], $0x800  }
0xa1: {  	[sflag:s12] =	ssyncset.done $0x0  }
0xa2: {  	v19 =	vor.u32 s2, v0;
	[sflag:s12] =	ssyncadd.s32 $0xFFFFF800  }
0xa3: {  	v20 =	vshll.u32 v19, $0x4;
	_ =	swait.ge [sflag:s12], $0x800  }
0xa4: {  	v21 =	vor.u32 v1, v20;
	[sflag:s12] =	ssyncset.done $0x0  }
0xa5: {  	[sflag:s12] =	ssyncadd.s32 $0xFFFFF800  }
0xa6: {  	_ =	swait.ge [sflag:s12], $0x800  }
0xa7: {  	[sflag:s12] =	ssyncset.done $0x0  }
0xa8: {  	v19 =	vand.u32 $0x7F8, v19;
	[sflag:s12] =	ssyncadd.s32 $0xFFFFF800  }
0xa9: {  	v22 =	vadd.s32 v2, v19;
	v21 =	vld.idx.msk [tilespmem:v21+s19+$0x0], $0xffff  }
0xaa: {  	v23 =	vor.u32 v3, v20;
	_ =	sdelay $0x3  }
0xab: {  	[tilespmem:v22+s16+$0x0] =	vst.idx.msk $0xffff, v21  }
0xac: {  	v22 =	vadd.s32 v4, v19;
	v21 =	vld.idx.msk [tilespmem:v23+s19+$0x0], $0xffff  }
0xad: {  	v23 =	vor.u32 v5, v20;
	_ =	sdelay $0x3  }
0xae: {  	[tilespmem:v22+s16+$0x0] =	vst.idx.msk $0xffff, v21  }
0xaf: {  	v22 =	vadd.s32 v6, v19;
	v21 =	vld.idx.msk [tilespmem:v23+s19+$0x0], $0xffff  }
0xb0: {  	v23 =	vor.u32 v7, v20;
	_ =	sdelay $0x3  }
0xb1: {  	[tilespmem:v22+s16+$0x0] =	vst.idx.msk $0xffff, v21  }
0xb2: {  	v22 =	vadd.s32 v8, v19;
	v21 =	vld.idx.msk [tilespmem:v23+s19+$0x0], $0xffff  }
0xb3: {  	v23 =	vor.u32 v9, v20;
	_ =	sdelay $0x3  }
0xb4: {  	[tilespmem:v22+s16+$0x0] =	vst.idx.msk $0xffff, v21  }
0xb5: {  	v22 =	vadd.s32 v10, v19;
	v21 =	vld.idx.msk [tilespmem:v23+s19+$0x0], $0xffff  }
0xb6: {  	v23 =	vor.u32 v11, v20;
	_ =	sdelay $0x3  }
0xb7: {  	[tilespmem:v22+s16+$0x0] =	vst.idx.msk $0xffff, v21  }
0xb8: {  	v22 =	vadd.s32 v12, v19;
	v21 =	vld.idx.msk [tilespmem:v23+s19+$0x0], $0xffff  }
0xb9: {  	v23 =	vor.u32 v13, v20;
	_ =	sdelay $0x3  }
0xba: {  	[tilespmem:v22+s16+$0x0] =	vst.idx.msk $0xffff, v21  }
0xbb: {  	v22 =	vadd.s32 v14, v19;
	v21 =	vld.idx.msk [tilespmem:v23+s19+$0x0], $0xffff  }
0xbc: {  	v23 =	vor.u32 v15, v20;
	_ =	sdelay $0x3  }
0xbd: {  	[tilespmem:v22+s16+$0x0] =	vst.idx.msk $0xffff, v21  }
0xbe: {  	v22 =	vadd.s32 v16, v19;
	v21 =	vld.idx.msk [tilespmem:v23+s19+$0x0], $0xffff  }
0xbf: {  	v23 =	vor.u32 v17, v20;
	_ =	sdelay $0x3  }
0xc0: {  	s1 =	simm.s32 $0x10;
	[tilespmem:v22+s16+$0x0] =	vst.idx.msk $0xffff, v21  }
0xc1: {  	s31 =	simm.s32 $0x20;
	v20 =	vor.u32 s1, v0;
	v21 =	vld.idx.msk [tilespmem:v23+s19+$0x0], $0xffff  }
.LBB2_4:
0xc2: {  	p0 =	sne.s32 s31, $0x770;
	v22 =	vshll.u32 v20, $0x4;
	v19 =	vadd.s32 v18, v19  }
0xc3: {  	v23 =	vor.u32 v1, v22;
	_ =	sdelay $0x3  }
0xc4: {  	[tilespmem:v19+s16+$0x0] =	vst.idx.msk $0xffff, v21  }
0xc5: {  	v19 =	vand.u32 $0x7F8, v20;
	v21 =	vld.idx.msk [tilespmem:v23+s19+$0x0], $0xffff  }
0xc6: {  	v20 =	vadd.s32 v2, v19  }
0xc7: {  	v23 =	vor.u32 v3, v22;
	_ =	sdelay $0x3  }
0xc8: {  	[tilespmem:v20+s16+$0x0] =	vst.idx.msk $0xffff, v21  }
0xc9: {  	v20 =	vld.idx.msk [tilespmem:v23+s19+$0x0], $0xffff  }
0xca: {  	v21 =	vadd.s32 v4, v19  }
0xcb: {  	v23 =	vor.u32 v5, v22;
	_ =	sdelay $0x3  }
0xcc: {  	[tilespmem:v21+s16+$0x0] =	vst.idx.msk $0xffff, v20  }
0xcd: {  	v20 =	vld.idx.msk [tilespmem:v23+s19+$0x0], $0xffff  }
0xce: {  	v21 =	vadd.s32 v6, v19  }
0xcf: {  	v23 =	vor.u32 v7, v22;
	_ =	sdelay $0x3  }
0xd0: {  	[tilespmem:v21+s16+$0x0] =	vst.idx.msk $0xffff, v20  }
0xd1: {  	v20 =	vld.idx.msk [tilespmem:v23+s19+$0x0], $0xffff  }
0xd2: {  	v21 =	vadd.s32 v8, v19  }
0xd3: {  	v23 =	vor.u32 v9, v22;
	_ =	sdelay $0x3  }
0xd4: {  	[tilespmem:v21+s16+$0x0] =	vst.idx.msk $0xffff, v20  }
0xd5: {  	v20 =	vld.idx.msk [tilespmem:v23+s19+$0x0], $0xffff  }
0xd6: {  	v21 =	vadd.s32 v10, v19  }
0xd7: {  	v23 =	vor.u32 v11, v22;
	_ =	sdelay $0x3  }
0xd8: {  	[tilespmem:v21+s16+$0x0] =	vst.idx.msk $0xffff, v20  }
0xd9: {  	v20 =	vld.idx.msk [tilespmem:v23+s19+$0x0], $0xffff  }
0xda: {  	v21 =	vadd.s32 v12, v19  }
0xdb: {  	v23 =	vor.u32 v13, v22;
	_ =	sdelay $0x3  }
0xdc: {  	[tilespmem:v21+s16+$0x0] =	vst.idx.msk $0xffff, v20  }
0xdd: {  	v20 =	vld.idx.msk [tilespmem:v23+s19+$0x0], $0xffff  }
0xde: {  	v21 =	vadd.s32 v14, v19  }
0xdf: {  	v23 =	vor.u32 v15, v22;
	_ =	sdelay $0x3  }
0xe0: {  	[tilespmem:v21+s16+$0x0] =	vst.idx.msk $0xffff, v20  }
0xe1: {  	v20 =	vld.idx.msk [tilespmem:v23+s19+$0x0], $0xffff  }
0xe2: {  	v21 =	vadd.s32 v16, v19  }
0xe3: {  	v22 =	vor.u32 v17, v22  }
.Ltmp5:
0xe4: {  	(pc) =	sbr.rel @p0 .LBB2_4-.Ltmp5, $3  }
0xe5: {  	_ =	sdelay $0x1  }
0xe6: {  	[tilespmem:v21+s16+$0x0] =	vst.idx.msk $0xffff, v20  }
0xe7: {  	v20 =	vor.u32 s31, v0;
	s31 =	sadd.s32 $0x10, s31;
	v21 =	vld.idx.msk [tilespmem:v22+s19+$0x0], $0xffff  }
0xe8: {  	v22 =	vshll.u32 v20, $0x4;
	v19 =	vadd.s32 v18, v19  }
0xe9: {  	v23 =	vor.u32 v1, v22;
	_ =	sdelay $0x3  }
0xea: {  	[tilespmem:v19+s16+$0x0] =	vst.idx.msk $0xffff, v21;
	v19 =	vand.u32 $0x7F8, v20  }
0xeb: {  	v20 =	vld.idx.msk [tilespmem:v23+s19+$0x0], $0xffff;
	v49 =	vadd.s32 v2, v19  }
0xec: {  	v50 =	vor.u32 v3, v22;
	_ =	sdelay $0x3  }
0xed: {  	[tilespmem:v49+s16+$0x0] =	vst.idx.msk $0xffff, v20  }
0xee: {  	v51 =	vadd.s32 v4, v19;
	v20 =	vld.idx.msk [tilespmem:v50+s19+$0x0], $0xffff  }
0xef: {  	v52 =	vor.u32 v5, v22;
	_ =	sdelay $0x3  }
0xf0: {  	[tilespmem:v51+s16+$0x0] =	vst.idx.msk $0xffff, v20  }
0xf1: {  	v53 =	vadd.s32 v6, v19;
	v20 =	vld.idx.msk [tilespmem:v52+s19+$0x0], $0xffff  }
0xf2: {  	v54 =	vor.u32 v7, v22;
	_ =	sdelay $0x3  }
0xf3: {  	[tilespmem:v53+s16+$0x0] =	vst.idx.msk $0xffff, v20  }
0xf4: {  	v55 =	vadd.s32 v8, v19;
	v20 =	vld.idx.msk [tilespmem:v54+s19+$0x0], $0xffff  }
0xf5: {  	v56 =	vor.u32 v9, v22;
	_ =	sdelay $0x3  }
0xf6: {  	[tilespmem:v55+s16+$0x0] =	vst.idx.msk $0xffff, v20  }
0xf7: {  	v57 =	vadd.s32 v10, v19;
	v20 =	vld.idx.msk [tilespmem:v56+s19+$0x0], $0xffff  }
0xf8: {  	v58 =	vor.u32 v11, v22;
	_ =	sdelay $0x3  }
0xf9: {  	[tilespmem:v57+s16+$0x0] =	vst.idx.msk $0xffff, v20  }
0xfa: {  	v59 =	vadd.s32 v12, v19;
	v20 =	vld.idx.msk [tilespmem:v58+s19+$0x0], $0xffff  }
0xfb: {  	v60 =	vor.u32 v13, v22;
	_ =	sdelay $0x3  }
0xfc: {  	[tilespmem:v59+s16+$0x0] =	vst.idx.msk $0xffff, v20  }
0xfd: {  	v61 =	vadd.s32 v14, v19;
	v20 =	vld.idx.msk [tilespmem:v60+s19+$0x0], $0xffff  }
0xfe: {  	v62 =	vor.u32 v15, v22;
	_ =	sdelay $0x3  }
0xff: {  	[tilespmem:v61+s16+$0x0] =	vst.idx.msk $0xffff, v20  }
0x100: {  	v63 =	vadd.s32 v16, v19;
	v20 =	vld.idx.msk [tilespmem:v62+s19+$0x0], $0xffff  }
0x101: {  	v22 =	vor.u32 v17, v22;
	_ =	sdelay $0x3  }
0x102: {  	[tilespmem:v63+s16+$0x0] =	vst.idx.msk $0xffff, v20  }
0x103: {  	v19 =	vadd.s32 v18, v19;
	v20 =	vld.idx.msk [tilespmem:v22+s19+$0x0], $0xffff;
	_ =	sdelay $0x4  }
0x104: {  	s2 =	sadd.s32 s4, s30;
	[tilespmem:v19+s16+$0x0] =	vst.idx.msk $0xffff, v20  }
0x105: {  	[hbm4b:s2+s3] =	stream.linear.scatter [tilespmem:s16], [sflag:$0x2], $0x780, $0x38;
	[tilespmem:$0xC300] =	vst v63  }
0x106: {  	s31 =	sadd.s32 s5, s30;
	s1 =	simm.s32 $0x8700  }
0x107: {  	[hbm4b:s31+s3] =	stream.linear.scatter [tilespmem:s1], [sflag:$0x2], $0x780, $0x38;
	[tilespmem:$0xC300] =	vst v63  }
0x108: {  	s31 =	sadd.s32 s6, s30  }
0x109: {  	[hbm4b:s31+s3] =	stream.linear.scatter [tilespmem:s20], [sflag:$0x2], $0x780, $0x38;
	[tilespmem:$0xC300] =	vst v63  }
0x10a: {  	s1 =	sadd.s32 s8, s30  }
0x10b: {  	[hbm4b:s1+s3] =	stream.linear.scatter [tilespmem:s21], [sflag:$0x2], $0x780, $0x38;
	[tilespmem:$0xC300] =	vst v63  }
0x10c: {  	s31 =	sadd.s32 s9, s30  }
0x10d: {  	[hbm4b:s31+s3] =	stream.linear.scatter [tilespmem:s22], [sflag:$0x2], $0x780, $0x38;
	[tilespmem:$0xC300] =	vst v63  }
0x10e: {  	s1 =	sadd.s32 s10, s30  }
0x10f: {  	[hbm4b:s1+s3] =	stream.linear.scatter [tilespmem:s23], [sflag:$0x2], $0x780, $0x38;
	[tilespmem:$0xC300] =	vst v63  }
0x110: {  	s31 =	sadd.s32 s11, s30  }
0x111: {  	[hbm4b:s31+s3] =	stream.linear.scatter [tilespmem:s24], [sflag:$0x2], $0x780, $0x38;
	[tilespmem:$0xC300] =	vst v63  }
0x112: {  	s1 =	sadd.s32 s13, s30  }
0x113: {  	[hbm4b:s1+s3] =	stream.linear.scatter [tilespmem:s25], [sflag:$0x2], $0x780, $0x38;
	[tilespmem:$0xC300] =	vst v63  }
0x114: {  	s31 =	sadd.s32 s14, s30  }
0x115: {  	[hbm4b:s31+s3] =	stream.linear.scatter [tilespmem:s26], [sflag:$0x2], $0x780, $0x38;
	[tilespmem:$0xC300] =	vst v63  }
0x116: {  	_ =	swait.ge [sflag:s28], $0x780  }
0x117: {  	[sflag:s28] =	ssyncset.done $0x0  }
0x118: {  	[sflag:s28] =	ssyncadd.s32 $0xFFFFF880  }
0x119: {  	_ =	swait.ge [sflag:s28], $0x780  }
0x11a: {  	[sflag:s28] =	ssyncset.done $0x0  }
0x11b: {  	[sflag:s28] =	ssyncadd.s32 $0xFFFFF880  }
0x11c: {  	_ =	swait.ge [sflag:s28], $0x780  }
0x11d: {  	[sflag:s28] =	ssyncset.done $0x0  }
0x11e: {  	[sflag:s28] =	ssyncadd.s32 $0xFFFFF880  }
0x11f: {  	_ =	swait.ge [sflag:s28], $0x780  }
0x120: {  	[sflag:s28] =	ssyncset.done $0x0  }
0x121: {  	[sflag:s28] =	ssyncadd.s32 $0xFFFFF880  }
0x122: {  	_ =	swait.ge [sflag:s28], $0x780  }
0x123: {  	[sflag:s28] =	ssyncset.done $0x0  }
0x124: {  	[sflag:s28] =	ssyncadd.s32 $0xFFFFF880  }
0x125: {  	_ =	swait.ge [sflag:s28], $0x780  }
0x126: {  	[sflag:s28] =	ssyncset.done $0x0  }
0x127: {  	[sflag:s28] =	ssyncadd.s32 $0xFFFFF880  }
0x128: {  	_ =	swait.ge [sflag:s28], $0x780  }
0x129: {  	[sflag:s28] =	ssyncset.done $0x0  }
0x12a: {  	[sflag:s28] =	ssyncadd.s32 $0xFFFFF880  }
0x12b: {  	_ =	swait.ge [sflag:s28], $0x780  }
.Ltmp6:
0x12c: {  	[sflag:s28] =	ssyncset.done $0x0;
	(pc) =	sbr.rel .LBB2_6-.Ltmp6, $4  }
0x12d: {  	[sflag:s28] =	ssyncadd.s32 $0xFFFFF880  }
0x12e: {  	_ =	swait.ge [sflag:s28], $0x780  }
0x12f: {  	[sflag:s28] =	ssyncset.done $0x0  }
0x130: {  	[sflag:s28] =	ssyncadd.s32 $0xFFFFF880  }
.LBB2_8:
0x131: {  	_ =	sfence.sel $0x180000  }
0x132: {  	[bflag:$0x0] =	sbarrier.arrive $0xFFFF  }
0x133: {  	_ =	strace $0x90000047  }
0x134: {  	s0 =	stileid.u32;
	[bflag:$0x2] =	sbarrier.arrive $0xFFFF  }
0x135: {  	p0 =	sne.s32 s0, $0x0;
	s0 =	rddreg [dreg:$0x3]  }
0x136: {  	s0 =	sadd.s32 @!p0 $0x100000, s0  }
0x137: {  	[sflag:s0] =	ssyncadd.tile.s32 @!p0 $0x1;
	_ =	shalt  }
.Lfunc_end2:
_tile_overlayer_lowered:
.L_overlay_start_2:
0x138: {  	(tag) =	ssettag $0x2  }
0x139: {  	s0 =	rddreg [dreg:$0x0];
	s2 =	stileid.u32  }
0x13a: {  	s1 =	rddreg [dreg:$0x1];
	p0 =	sne.s32 s2, $0x0  }
0x13b: {  	s3 =	rddreg [dreg:$0x2];
	[bflag:$0x3] =	sbarrier.arrive $0xFFFF;
	s2 =	simm.s32 @!p0 $0x1C03  }
0x13c: {  	[timem:s3], [sflag:s2] =	dma.local @!p0 [hbm:s0], s1  }
0x13d: {  	s0 =	simm.s32 @!p0 $0x3  }
0x13e: {  	_ =	swait.ge @!p0 [sflag:s0], s1  }
0x13f: {  	s1 =	ssub.s32 @!p0 $0x0, s1;
	[sflag:s0] =	ssyncset.done @!p0 $0x0  }
0x140: {  	[sflag:s0] =	ssyncadd.s32 @!p0 s1  }
0x141: {  	[bflag:$0x3] =	sbarrier.arrive $0xFFFF  }
0x142: {  	_ =	shalt  }

</sc_bundles>
